<compile_context>
chip_gen: v7x
topology: tpu7x:2x2x1
jax: 0.10.2.dev20260603
libtpu: 0.0.44.dev20260713+nightly
codegen_flags: <defaults>
</compile_context>

<pallas_src>
import functools

import jax
import jax.numpy as jnp
from jax import lax
from jax.experimental import pallas as pl
from jax.experimental.pallas import tpu as pltpu
from jax.experimental.pallas import tpu_sc as plsc

_D = 64
_NW = 32
_B = 16384 * 50
_BPW = _B // _NW
_SUB = 128
_SPC = 4
_CH = _SUB * _SPC
_NCH = _BPW // _CH
_NBUF = 2


def _gather_sc(idx_grp, table):
    mesh = plsc.VectorSubcoreMesh(core_axis_name="c", subcore_axis_name="s")

    @functools.partial(
        pl.kernel,
        mesh=mesh,
        out_type=jax.ShapeDtypeStruct((_B, _D), jnp.float32),
        compiler_params=pltpu.CompilerParams(use_tc_tiling_on_sc=False),
        scratch_types=[
            pltpu.VMEM((_NCH * _SPC, _SUB), jnp.int32),
            pltpu.VMEM((_NBUF, _CH, _D), jnp.float32),
            pltpu.SemaphoreType.DMA,
            pltpu.SemaphoreType.DMA,
        ],
    )
    def k(idx_hbm, table_hbm, out_hbm, idx_v, rows_v, gsem0, gsem1):
        gsems = (gsem0, gsem1)
        wid = lax.axis_index("s") * 2 + lax.axis_index("c")
        base = wid * _BPW
        pltpu.sync_copy(idx_hbm.at[wid], idx_v)

        def start_gather(g, b):
            for j in range(_SPC):
                pltpu.async_copy(
                    table_hbm.at[idx_v.at[g * _SPC + j]],
                    rows_v.at[b].at[pl.ds(j * _SUB, _SUB)],
                    gsems[b],
                )

        def wait_gather(g, b):
            for j in range(_SPC):
                pltpu.make_async_copy(
                    table_hbm.at[idx_v.at[g * _SPC + j]],
                    rows_v.at[b].at[pl.ds(j * _SUB, _SUB)],
                    gsems[b],
                ).wait()

        for b in range(_NBUF):
            start_gather(b, b)

        def body(t, carry):
            for b in range(_NBUF):
                g = t * _NBUF + b
                wait_gather(g, b)
                pltpu.sync_copy(
                    rows_v.at[b], out_hbm.at[pl.ds(base + g * _CH, _CH)]
                )

                @pl.when(g + _NBUF < _NCH)
                def _():
                    start_gather(g + _NBUF, b)

            return carry

        lax.fori_loop(0, _NCH // _NBUF, body, 0)

    return k(idx_grp, table)


def kernel(input, table):
    idx = input.reshape(-1).astype(jnp.int32).reshape(_NW, _NCH * _SPC, _SUB)
    out = _gather_sc(idx, table)
    return out.reshape(input.shape[0], input.shape[1], _D)

# --- scband reference (transcript-rebuilt; emitter-appended) ---
"""Pipeline reference for scband-meta-brain-input-43035572306495 (READ-ONLY COPY).

The authoritative reference and input builder live on the scoring server;
editing this copy changes nothing except your own understanding.
"""

import jax, jax.numpy as jnp
import numpy as np

VOCAB = 1000000
EMBED_DIM = 64
BATCH = 16384
HIST_LEN = 50

def setup_inputs(seed: int = 0) -> dict:
    key = jax.random.key(seed)
    k_idx, k_tab = jax.random.split(key)
    indices = jax.random.randint(k_idx, (BATCH, HIST_LEN), 0, VOCAB, dtype=jnp.int64 if jax.config.jax_enable_x64 else jnp.int32)
    table = jax.random.normal(k_tab, (VOCAB, EMBED_DIM), dtype=jnp.float32) * 0.02
    return {"input": indices, "table": table}

def reference(input, table):
    # MetaBrainInput.forward: x = self.embedding(input)
    x = jnp.take(table, input, axis=0)
    return x

if __name__ == "__main__":
    import jax
    _d = setup_inputs()
    print(jax.jit(kernel)(*tuple(_d.values())))

</pallas_src>

<mosaic_0001>
#map = affine_map<(d0, d1) -> (0, 0, 0)>
#map1 = affine_map<(d0, d1) -> (0, 0)>
module attributes {stable_mosaic.version = 14 : i64} {
  func.func @k(%arg0: i32, %arg1: i32, %arg2: memref<32x200x128xi32, #tpu.memory_space<hbm>>, %arg3: memref<1000000x64xf32, #tpu.memory_space<hbm>>, %arg4: memref<819200x64xf32, #tpu.memory_space<hbm>>, %arg5: memref<200x128xi32, #tpu.memory_space<vmem>>, %arg6: memref<2x512x64xf32, #tpu.memory_space<vmem>>, %arg7: memref<!tpu.dma_semaphore, #tpu.memory_space<semaphore_mem>>, %arg8: memref<!tpu.dma_semaphore, #tpu.memory_space<semaphore_mem>>) attributes {dimension_semantics = [#tpu.dimension_semantics<core_parallel>, #tpu.dimension_semantics<subcore_parallel>], iteration_bounds = array<i64: 2, 16>, scalar_prefetch = 0 : i64, scratch_operands = 4 : i64, tpu.core_type = #tpu.core_type<sc_vector_subcore>, window_params = [{transform_indices = #map}, {transform_indices = #map1}, {transform_indices = #map1}]} {
    %mul3A = arith.constant 2 : i32
    %mul3A_0 = arith.muli %arg1, %mul3A : i32
    %add3A = arith.addi %mul3A_0, %arg0 : i32
    %mul3A_1 = arith.constant 25600 : i32
    %mul3A_2 = arith.muli %add3A, %mul3A_1 : i32
    "tpu.region"() ({
      %run_scoped3A = tpu.sem_alloc : memref<!tpu.dma_semaphore, #tpu.memory_space<semaphore_mem>>
      %dma_start3A_127 = arith.constant 0 : i32
      %dma_start3A_128 = arith.constant 0 : i32
      %dma_start3A_129 = tpu.memref_slice %arg2[%add3A, %dma_start3A_127, %dma_start3A_128] : memref<32x200x128xi32, #tpu.memory_space<hbm>> -> memref<1x200x128xi32, #tpu.memory_space<hbm>>
      %dma_start3A_130 = tpu.memref_squeeze %dma_start3A_129 : memref<1x200x128xi32, #tpu.memory_space<hbm>> -> memref<200x128xi32, #tpu.memory_space<hbm>>
      %dma_start3A_131 = arith.constant 0 : i32
      %dma_start3A_132 = arith.constant 0 : i32
      %dma_start3A_133 = tpu.memref_slice %arg2[%add3A, %dma_start3A_131, %dma_start3A_132] : memref<32x200x128xi32, #tpu.memory_space<hbm>> -> memref<1x200x128xi32, #tpu.memory_space<hbm>>
      %dma_start3A_134 = tpu.memref_squeeze %dma_start3A_133 : memref<1x200x128xi32, #tpu.memory_space<hbm>> -> memref<200x128xi32, #tpu.memory_space<hbm>>
      tpu.enqueue_dma source(%dma_start3A_134 : memref<200x128xi32, #tpu.memory_space<hbm>>) target(%arg5 : memref<200x128xi32, #tpu.memory_space<vmem>>) target_semaphore(%run_scoped3A : memref<!tpu.dma_semaphore, #tpu.memory_space<semaphore_mem>>)
      %dma_wait3A = arith.constant 0 : i32
      %dma_wait3A_135 = arith.constant 0 : i32
      %dma_wait3A_136 = tpu.memref_slice %arg2[%add3A, %dma_wait3A, %dma_wait3A_135] : memref<32x200x128xi32, #tpu.memory_space<hbm>> -> memref<1x200x128xi32, #tpu.memory_space<hbm>>
      %dma_wait3A_137 = tpu.memref_squeeze %dma_wait3A_136 : memref<1x200x128xi32, #tpu.memory_space<hbm>> -> memref<200x128xi32, #tpu.memory_space<hbm>>
      %dma_wait3A_138 = arith.constant 0 : i32
      %dma_wait3A_139 = arith.constant 0 : i32
      %dma_wait3A_140 = tpu.memref_slice %arg2[%add3A, %dma_wait3A_138, %dma_wait3A_139] : memref<32x200x128xi32, #tpu.memory_space<hbm>> -> memref<1x200x128xi32, #tpu.memory_space<hbm>>
      %dma_wait3A_141 = tpu.memref_squeeze %dma_wait3A_140 : memref<1x200x128xi32, #tpu.memory_space<hbm>> -> memref<200x128xi32, #tpu.memory_space<hbm>>
      tpu.wait_dma2 semaphore(%run_scoped3A : memref<!tpu.dma_semaphore, #tpu.memory_space<semaphore_mem>>) src(%dma_wait3A_141 : memref<200x128xi32, #tpu.memory_space<hbm>>) dst(%arg5 : memref<200x128xi32, #tpu.memory_space<vmem>>)
      tpu.yield
    }) : () -> ()
    %dma_start3A = arith.constant 0 : i32
    %dma_start3A_3 = arith.constant 0 : i32
    %dma_start3A_4 = arith.constant 0 : i32
    %dma_start3A_5 = arith.constant 0 : i32
    %dma_start3A_6 = tpu.memref_slice %arg6[%dma_start3A_3, %dma_start3A_4, %dma_start3A_5] : memref<2x512x64xf32, #tpu.memory_space<vmem>> -> memref<1x512x64xf32, #tpu.memory_space<vmem>>
    %dma_start3A_7 = tpu.memref_squeeze %dma_start3A_6 : memref<1x512x64xf32, #tpu.memory_space<vmem>> -> memref<512x64xf32, #tpu.memory_space<vmem>>
    %dma_start3A_8 = arith.constant 0 : i32
    %dma_start3A_9 = arith.constant 0 : i32
    %dma_start3A_10 = tpu.memref_slice %dma_start3A_7[%dma_start3A_8, %dma_start3A_9] : memref<512x64xf32, #tpu.memory_space<vmem>> -> memref<128x64xf32, #tpu.memory_space<vmem>>
    %dma_start3A_11 = arith.constant 0 : i32
    %dma_start3A_12 = tpu.memref_slice %arg5[%dma_start3A, %dma_start3A_11] : memref<200x128xi32, #tpu.memory_space<vmem>> -> memref<1x128xi32, #tpu.memory_space<vmem>>
    %dma_start3A_13 = tpu.memref_squeeze %dma_start3A_12 : memref<1x128xi32, #tpu.memory_space<vmem>> -> memref<128xi32, #tpu.memory_space<vmem>>
    %dma_start3A_14 = arith.constant 0 : i32
    %dma_start3A_15 = arith.constant 0 : i32
    %dma_start3A_16 = tpu.memref_slice %arg3[%dma_start3A_14, %dma_start3A_15] : memref<1000000x64xf32, #tpu.memory_space<hbm>> -> memref<1000000x64xf32, #tpu.memory_space<hbm>>
    tpu.enqueue_indirect_dma source(%dma_start3A_16 : memref<1000000x64xf32, #tpu.memory_space<hbm>>) target(%dma_start3A_10 : memref<128x64xf32, #tpu.memory_space<vmem>>) offsets(%dma_start3A_13 : memref<128xi32, #tpu.memory_space<vmem>>) semaphore(%arg7 : memref<!tpu.dma_semaphore, #tpu.memory_space<semaphore_mem>>)
    %dma_start3A_17 = arith.constant 1 : i32
    %dma_start3A_18 = arith.constant 0 : i32
    %dma_start3A_19 = arith.constant 0 : i32
    %dma_start3A_20 = arith.constant 0 : i32
    %dma_start3A_21 = tpu.memref_slice %arg6[%dma_start3A_18, %dma_start3A_19, %dma_start3A_20] : memref<2x512x64xf32, #tpu.memory_space<vmem>> -> memref<1x512x64xf32, #tpu.memory_space<vmem>>
    %dma_start3A_22 = tpu.memref_squeeze %dma_start3A_21 : memref<1x512x64xf32, #tpu.memory_space<vmem>> -> memref<512x64xf32, #tpu.memory_space<vmem>>
    %dma_start3A_23 = arith.constant 128 : i32
    %dma_start3A_24 = arith.constant 0 : i32
    %dma_start3A_25 = tpu.memref_slice %dma_start3A_22[%dma_start3A_23, %dma_start3A_24] : memref<512x64xf32, #tpu.memory_space<vmem>> -> memref<128x64xf32, #tpu.memory_space<vmem>>
    %dma_start3A_26 = arith.constant 0 : i32
    %dma_start3A_27 = tpu.memref_slice %arg5[%dma_start3A_17, %dma_start3A_26] : memref<200x128xi32, #tpu.memory_space<vmem>> -> memref<1x128xi32, #tpu.memory_space<vmem>>
    %dma_start3A_28 = tpu.memref_squeeze %dma_start3A_27 : memref<1x128xi32, #tpu.memory_space<vmem>> -> memref<128xi32, #tpu.memory_space<vmem>>
    %dma_start3A_29 = arith.constant 0 : i32
    %dma_start3A_30 = arith.constant 0 : i32
    %dma_start3A_31 = tpu.memref_slice %arg3[%dma_start3A_29, %dma_start3A_30] : memref<1000000x64xf32, #tpu.memory_space<hbm>> -> memref<1000000x64xf32, #tpu.memory_space<hbm>>
    tpu.enqueue_indirect_dma source(%dma_start3A_31 : memref<1000000x64xf32, #tpu.memory_space<hbm>>) target(%dma_start3A_25 : memref<128x64xf32, #tpu.memory_space<vmem>>) offsets(%dma_start3A_28 : memref<128xi32, #tpu.memory_space<vmem>>) semaphore(%arg7 : memref<!tpu.dma_semaphore, #tpu.memory_space<semaphore_mem>>)
    %dma_start3A_32 = arith.constant 2 : i32
    %dma_start3A_33 = arith.constant 0 : i32
    %dma_start3A_34 = arith.constant 0 : i32
    %dma_start3A_35 = arith.constant 0 : i32
    %dma_start3A_36 = tpu.memref_slice %arg6[%dma_start3A_33, %dma_start3A_34, %dma_start3A_35] : memref<2x512x64xf32, #tpu.memory_space<vmem>> -> memref<1x512x64xf32, #tpu.memory_space<vmem>>
    %dma_start3A_37 = tpu.memref_squeeze %dma_start3A_36 : memref<1x512x64xf32, #tpu.memory_space<vmem>> -> memref<512x64xf32, #tpu.memory_space<vmem>>
    %dma_start3A_38 = arith.constant 256 : i32
    %dma_start3A_39 = arith.constant 0 : i32
    %dma_start3A_40 = tpu.memref_slice %dma_start3A_37[%dma_start3A_38, %dma_start3A_39] : memref<512x64xf32, #tpu.memory_space<vmem>> -> memref<128x64xf32, #tpu.memory_space<vmem>>
    %dma_start3A_41 = arith.constant 0 : i32
    %dma_start3A_42 = tpu.memref_slice %arg5[%dma_start3A_32, %dma_start3A_41] : memref<200x128xi32, #tpu.memory_space<vmem>> -> memref<1x128xi32, #tpu.memory_space<vmem>>
    %dma_start3A_43 = tpu.memref_squeeze %dma_start3A_42 : memref<1x128xi32, #tpu.memory_space<vmem>> -> memref<128xi32, #tpu.memory_space<vmem>>
    %dma_start3A_44 = arith.constant 0 : i32
    %dma_start3A_45 = arith.constant 0 : i32
    %dma_start3A_46 = tpu.memref_slice %arg3[%dma_start3A_44, %dma_start3A_45] : memref<1000000x64xf32, #tpu.memory_space<hbm>> -> memref<1000000x64xf32, #tpu.memory_space<hbm>>
    tpu.enqueue_indirect_dma source(%dma_start3A_46 : memref<1000000x64xf32, #tpu.memory_space<hbm>>) target(%dma_start3A_40 : memref<128x64xf32, #tpu.memory_space<vmem>>) offsets(%dma_start3A_43 : memref<128xi32, #tpu.memory_space<vmem>>) semaphore(%arg7 : memref<!tpu.dma_semaphore, #tpu.memory_space<semaphore_mem>>)
    %dma_start3A_47 = arith.constant 3 : i32
    %dma_start3A_48 = arith.constant 0 : i32
    %dma_start3A_49 = arith.constant 0 : i32
    %dma_start3A_50 = arith.constant 0 : i32
    %dma_start3A_51 = tpu.memref_slice %arg6[%dma_start3A_48, %dma_start3A_49, %dma_start3A_50] : memref<2x512x64xf32, #tpu.memory_space<vmem>> -> memref<1x512x64xf32, #tpu.memory_space<vmem>>
    %dma_start3A_52 = tpu.memref_squeeze %dma_start3A_51 : memref<1x512x64xf32, #tpu.memory_space<vmem>> -> memref<512x64xf32, #tpu.memory_space<vmem>>
    %dma_start3A_53 = arith.constant 384 : i32
    %dma_start3A_54 = arith.constant 0 : i32
    %dma_start3A_55 = tpu.memref_slice %dma_start3A_52[%dma_start3A_53, %dma_start3A_54] : memref<512x64xf32, #tpu.memory_space<vmem>> -> memref<128x64xf32, #tpu.memory_space<vmem>>
    %dma_start3A_56 = arith.constant 0 : i32
    %dma_start3A_57 = tpu.memref_slice %arg5[%dma_start3A_47, %dma_start3A_56] : memref<200x128xi32, #tpu.memory_space<vmem>> -> memref<1x128xi32, #tpu.memory_space<vmem>>
    %dma_start3A_58 = tpu.memref_squeeze %dma_start3A_57 : memref<1x128xi32, #tpu.memory_space<vmem>> -> memref<128xi32, #tpu.memory_space<vmem>>
    %dma_start3A_59 = arith.constant 0 : i32
    %dma_start3A_60 = arith.constant 0 : i32
    %dma_start3A_61 = tpu.memref_slice %arg3[%dma_start3A_59, %dma_start3A_60] : memref<1000000x64xf32, #tpu.memory_space<hbm>> -> memref<1000000x64xf32, #tpu.memory_space<hbm>>
    tpu.enqueue_indirect_dma source(%dma_start3A_61 : memref<1000000x64xf32, #tpu.memory_space<hbm>>) target(%dma_start3A_55 : memref<128x64xf32, #tpu.memory_space<vmem>>) offsets(%dma_start3A_58 : memref<128xi32, #tpu.memory_space<vmem>>) semaphore(%arg7 : memref<!tpu.dma_semaphore, #tpu.memory_space<semaphore_mem>>)
    %dma_start3A_62 = arith.constant 4 : i32
    %dma_start3A_63 = arith.constant 1 : i32
    %dma_start3A_64 = arith.constant 0 : i32
    %dma_start3A_65 = arith.constant 0 : i32
    %dma_start3A_66 = tpu.memref_slice %arg6[%dma_start3A_63, %dma_start3A_64, %dma_start3A_65] : memref<2x512x64xf32, #tpu.memory_space<vmem>> -> memref<1x512x64xf32, #tpu.memory_space<vmem>>
    %dma_start3A_67 = tpu.memref_squeeze %dma_start3A_66 : memref<1x512x64xf32, #tpu.memory_space<vmem>> -> memref<512x64xf32, #tpu.memory_space<vmem>>
    %dma_start3A_68 = arith.constant 0 : i32
    %dma_start3A_69 = arith.constant 0 : i32
    %dma_start3A_70 = tpu.memref_slice %dma_start3A_67[%dma_start3A_68, %dma_start3A_69] : memref<512x64xf32, #tpu.memory_space<vmem>> -> memref<128x64xf32, #tpu.memory_space<vmem>>
    %dma_start3A_71 = arith.constant 0 : i32
    %dma_start3A_72 = tpu.memref_slice %arg5[%dma_start3A_62, %dma_start3A_71] : memref<200x128xi32, #tpu.memory_space<vmem>> -> memref<1x128xi32, #tpu.memory_space<vmem>>
    %dma_start3A_73 = tpu.memref_squeeze %dma_start3A_72 : memref<1x128xi32, #tpu.memory_space<vmem>> -> memref<128xi32, #tpu.memory_space<vmem>>
    %dma_start3A_74 = arith.constant 0 : i32
    %dma_start3A_75 = arith.constant 0 : i32
    %dma_start3A_76 = tpu.memref_slice %arg3[%dma_start3A_74, %dma_start3A_75] : memref<1000000x64xf32, #tpu.memory_space<hbm>> -> memref<1000000x64xf32, #tpu.memory_space<hbm>>
    tpu.enqueue_indirect_dma source(%dma_start3A_76 : memref<1000000x64xf32, #tpu.memory_space<hbm>>) target(%dma_start3A_70 : memref<128x64xf32, #tpu.memory_space<vmem>>) offsets(%dma_start3A_73 : memref<128xi32, #tpu.memory_space<vmem>>) semaphore(%arg8 : memref<!tpu.dma_semaphore, #tpu.memory_space<semaphore_mem>>)
    %dma_start3A_77 = arith.constant 5 : i32
    %dma_start3A_78 = arith.constant 1 : i32
    %dma_start3A_79 = arith.constant 0 : i32
    %dma_start3A_80 = arith.constant 0 : i32
    %dma_start3A_81 = tpu.memref_slice %arg6[%dma_start3A_78, %dma_start3A_79, %dma_start3A_80] : memref<2x512x64xf32, #tpu.memory_space<vmem>> -> memref<1x512x64xf32, #tpu.memory_space<vmem>>
    %dma_start3A_82 = tpu.memref_squeeze %dma_start3A_81 : memref<1x512x64xf32, #tpu.memory_space<vmem>> -> memref<512x64xf32, #tpu.memory_space<vmem>>
    %dma_start3A_83 = arith.constant 128 : i32
    %dma_start3A_84 = arith.constant 0 : i32
    %dma_start3A_85 = tpu.memref_slice %dma_start3A_82[%dma_start3A_83, %dma_start3A_84] : memref<512x64xf32, #tpu.memory_space<vmem>> -> memref<128x64xf32, #tpu.memory_space<vmem>>
    %dma_start3A_86 = arith.constant 0 : i32
    %dma_start3A_87 = tpu.memref_slice %arg5[%dma_start3A_77, %dma_start3A_86] : memref<200x128xi32, #tpu.memory_space<vmem>> -> memref<1x128xi32, #tpu.memory_space<vmem>>
    %dma_start3A_88 = tpu.memref_squeeze %dma_start3A_87 : memref<1x128xi32, #tpu.memory_space<vmem>> -> memref<128xi32, #tpu.memory_space<vmem>>
    %dma_start3A_89 = arith.constant 0 : i32
    %dma_start3A_90 = arith.constant 0 : i32
    %dma_start3A_91 = tpu.memref_slice %arg3[%dma_start3A_89, %dma_start3A_90] : memref<1000000x64xf32, #tpu.memory_space<hbm>> -> memref<1000000x64xf32, #tpu.memory_space<hbm>>
    tpu.enqueue_indirect_dma source(%dma_start3A_91 : memref<1000000x64xf32, #tpu.memory_space<hbm>>) target(%dma_start3A_85 : memref<128x64xf32, #tpu.memory_space<vmem>>) offsets(%dma_start3A_88 : memref<128xi32, #tpu.memory_space<vmem>>) semaphore(%arg8 : memref<!tpu.dma_semaphore, #tpu.memory_space<semaphore_mem>>)
    %dma_start3A_92 = arith.constant 6 : i32
    %dma_start3A_93 = arith.constant 1 : i32
    %dma_start3A_94 = arith.constant 0 : i32
    %dma_start3A_95 = arith.constant 0 : i32
    %dma_start3A_96 = tpu.memref_slice %arg6[%dma_start3A_93, %dma_start3A_94, %dma_start3A_95] : memref<2x512x64xf32, #tpu.memory_space<vmem>> -> memref<1x512x64xf32, #tpu.memory_space<vmem>>
    %dma_start3A_97 = tpu.memref_squeeze %dma_start3A_96 : memref<1x512x64xf32, #tpu.memory_space<vmem>> -> memref<512x64xf32, #tpu.memory_space<vmem>>
    %dma_start3A_98 = arith.constant 256 : i32
    %dma_start3A_99 = arith.constant 0 : i32
    %dma_start3A_100 = tpu.memref_slice %dma_start3A_97[%dma_start3A_98, %dma_start3A_99] : memref<512x64xf32, #tpu.memory_space<vmem>> -> memref<128x64xf32, #tpu.memory_space<vmem>>
    %dma_start3A_101 = arith.constant 0 : i32
    %dma_start3A_102 = tpu.memref_slice %arg5[%dma_start3A_92, %dma_start3A_101] : memref<200x128xi32, #tpu.memory_space<vmem>> -> memref<1x128xi32, #tpu.memory_space<vmem>>
    %dma_start3A_103 = tpu.memref_squeeze %dma_start3A_102 : memref<1x128xi32, #tpu.memory_space<vmem>> -> memref<128xi32, #tpu.memory_space<vmem>>
    %dma_start3A_104 = arith.constant 0 : i32
    %dma_start3A_105 = arith.constant 0 : i32
    %dma_start3A_106 = tpu.memref_slice %arg3[%dma_start3A_104, %dma_start3A_105] : memref<1000000x64xf32, #tpu.memory_space<hbm>> -> memref<1000000x64xf32, #tpu.memory_space<hbm>>
    tpu.enqueue_indirect_dma source(%dma_start3A_106 : memref<1000000x64xf32, #tpu.memory_space<hbm>>) target(%dma_start3A_100 : memref<128x64xf32, #tpu.memory_space<vmem>>) offsets(%dma_start3A_103 : memref<128xi32, #tpu.memory_space<vmem>>) semaphore(%arg8 : memref<!tpu.dma_semaphore, #tpu.memory_space<semaphore_mem>>)
    %dma_start3A_107 = arith.constant 7 : i32
    %dma_start3A_108 = arith.constant 1 : i32
    %dma_start3A_109 = arith.constant 0 : i32
    %dma_start3A_110 = arith.constant 0 : i32
    %dma_start3A_111 = tpu.memref_slice %arg6[%dma_start3A_108, %dma_start3A_109, %dma_start3A_110] : memref<2x512x64xf32, #tpu.memory_space<vmem>> -> memref<1x512x64xf32, #tpu.memory_space<vmem>>
    %dma_start3A_112 = tpu.memref_squeeze %dma_start3A_111 : memref<1x512x64xf32, #tpu.memory_space<vmem>> -> memref<512x64xf32, #tpu.memory_space<vmem>>
    %dma_start3A_113 = arith.constant 384 : i32
    %dma_start3A_114 = arith.constant 0 : i32
    %dma_start3A_115 = tpu.memref_slice %dma_start3A_112[%dma_start3A_113, %dma_start3A_114] : memref<512x64xf32, #tpu.memory_space<vmem>> -> memref<128x64xf32, #tpu.memory_space<vmem>>
    %dma_start3A_116 = arith.constant 0 : i32
    %dma_start3A_117 = tpu.memref_slice %arg5[%dma_start3A_107, %dma_start3A_116] : memref<200x128xi32, #tpu.memory_space<vmem>> -> memref<1x128xi32, #tpu.memory_space<vmem>>
    %dma_start3A_118 = tpu.memref_squeeze %dma_start3A_117 : memref<1x128xi32, #tpu.memory_space<vmem>> -> memref<128xi32, #tpu.memory_space<vmem>>
    %dma_start3A_119 = arith.constant 0 : i32
    %dma_start3A_120 = arith.constant 0 : i32
    %dma_start3A_121 = tpu.memref_slice %arg3[%dma_start3A_119, %dma_start3A_120] : memref<1000000x64xf32, #tpu.memory_space<hbm>> -> memref<1000000x64xf32, #tpu.memory_space<hbm>>
    tpu.enqueue_indirect_dma source(%dma_start3A_121 : memref<1000000x64xf32, #tpu.memory_space<hbm>>) target(%dma_start3A_115 : memref<128x64xf32, #tpu.memory_space<vmem>>) offsets(%dma_start3A_118 : memref<128xi32, #tpu.memory_space<vmem>>) semaphore(%arg8 : memref<!tpu.dma_semaphore, #tpu.memory_space<semaphore_mem>>)
    %scan3A = arith.constant 0 : i32
    %scan3A_122 = arith.constant 0 : i32
    %scan3A_123 = arith.constant 25 : i32
    %scan3A_124 = arith.addi %scan3A_122, %scan3A_123 : i32
    %scan3A_125 = arith.constant 1 : i32
    scf.for %scan3A_127 = %scan3A_122 to %scan3A_124 step %scan3A_125  : i32 {
      %mul3A_128 = arith.constant 2 : i32
      %mul3A_129 = arith.muli %scan3A_127, %mul3A_128 : i32
      %add3A_130 = arith.constant 0 : i32
      %add3A_131 = arith.addi %mul3A_129, %add3A_130 : i32
      %mul3A_132 = arith.constant 4 : i32
      %mul3A_133 = arith.muli %add3A_131, %mul3A_132 : i32
      %add3A_134 = arith.constant 0 : i32
      %add3A_135 = arith.addi %mul3A_133, %add3A_134 : i32
      %dma_wait3A = arith.constant 0 : i32
      %dma_wait3A_136 = arith.constant 0 : i32
      %dma_wait3A_137 = arith.constant 0 : i32
      %dma_wait3A_138 = tpu.memref_slice %arg6[%dma_wait3A, %dma_wait3A_136, %dma_wait3A_137] : memref<2x512x64xf32, #tpu.memory_space<vmem>> -> memref<1x512x64xf32, #tpu.memory_space<vmem>>
      %dma_wait3A_139 = tpu.memref_squeeze %dma_wait3A_138 : memref<1x512x64xf32, #tpu.memory_space<vmem>> -> memref<512x64xf32, #tpu.memory_space<vmem>>
      %dma_wait3A_140 = arith.constant 0 : i32
      %dma_wait3A_141 = arith.constant 0 : i32
      %dma_wait3A_142 = tpu.memref_slice %dma_wait3A_139[%dma_wait3A_140, %dma_wait3A_141] : memref<512x64xf32, #tpu.memory_space<vmem>> -> memref<128x64xf32, #tpu.memory_space<vmem>>
      %dma_wait3A_143 = arith.constant 0 : i32
      %dma_wait3A_144 = tpu.memref_slice %arg5[%add3A_135, %dma_wait3A_143] : memref<200x128xi32, #tpu.memory_space<vmem>> -> memref<1x128xi32, #tpu.memory_space<vmem>>
      %dma_wait3A_145 = tpu.memref_squeeze %dma_wait3A_144 : memref<1x128xi32, #tpu.memory_space<vmem>> -> memref<128xi32, #tpu.memory_space<vmem>>
      %dma_wait3A_146 = arith.constant 0 : i32
      %dma_wait3A_147 = arith.constant 0 : i32
      %dma_wait3A_148 = tpu.memref_slice %arg3[%dma_wait3A_146, %dma_wait3A_147] : memref<1000000x64xf32, #tpu.memory_space<hbm>> -> memref<1000000x64xf32, #tpu.memory_space<hbm>>
      tpu.wait_indirect_dma semaphore(%arg7 : memref<!tpu.dma_semaphore, #tpu.memory_space<semaphore_mem>>) src(%dma_wait3A_148 : memref<1000000x64xf32, #tpu.memory_space<hbm>>) dst(%dma_wait3A_142 : memref<128x64xf32, #tpu.memory_space<vmem>>)
      %mul3A_149 = arith.constant 4 : i32
      %mul3A_150 = arith.muli %add3A_131, %mul3A_149 : i32
      %add3A_151 = arith.constant 1 : i32
      %add3A_152 = arith.addi %mul3A_150, %add3A_151 : i32
      %dma_wait3A_153 = arith.constant 0 : i32
      %dma_wait3A_154 = arith.constant 0 : i32
      %dma_wait3A_155 = arith.constant 0 : i32
      %dma_wait3A_156 = tpu.memref_slice %arg6[%dma_wait3A_153, %dma_wait3A_154, %dma_wait3A_155] : memref<2x512x64xf32, #tpu.memory_space<vmem>> -> memref<1x512x64xf32, #tpu.memory_space<vmem>>
      %dma_wait3A_157 = tpu.memref_squeeze %dma_wait3A_156 : memref<1x512x64xf32, #tpu.memory_space<vmem>> -> memref<512x64xf32, #tpu.memory_space<vmem>>
      %dma_wait3A_158 = arith.constant 128 : i32
      %dma_wait3A_159 = arith.constant 0 : i32
      %dma_wait3A_160 = tpu.memref_slice %dma_wait3A_157[%dma_wait3A_158, %dma_wait3A_159] : memref<512x64xf32, #tpu.memory_space<vmem>> -> memref<128x64xf32, #tpu.memory_space<vmem>>
      %dma_wait3A_161 = arith.constant 0 : i32
      %dma_wait3A_162 = tpu.memref_slice %arg5[%add3A_152, %dma_wait3A_161] : memref<200x128xi32, #tpu.memory_space<vmem>> -> memref<1x128xi32, #tpu.memory_space<vmem>>
      %dma_wait3A_163 = tpu.memref_squeeze %dma_wait3A_162 : memref<1x128xi32, #tpu.memory_space<vmem>> -> memref<128xi32, #tpu.memory_space<vmem>>
      %dma_wait3A_164 = arith.constant 0 : i32
      %dma_wait3A_165 = arith.constant 0 : i32
      %dma_wait3A_166 = tpu.memref_slice %arg3[%dma_wait3A_164, %dma_wait3A_165] : memref<1000000x64xf32, #tpu.memory_space<hbm>> -> memref<1000000x64xf32, #tpu.memory_space<hbm>>
      tpu.wait_indirect_dma semaphore(%arg7 : memref<!tpu.dma_semaphore, #tpu.memory_space<semaphore_mem>>) src(%dma_wait3A_166 : memref<1000000x64xf32, #tpu.memory_space<hbm>>) dst(%dma_wait3A_160 : memref<128x64xf32, #tpu.memory_space<vmem>>)
      %mul3A_167 = arith.constant 4 : i32
      %mul3A_168 = arith.muli %add3A_131, %mul3A_167 : i32
      %add3A_169 = arith.constant 2 : i32
      %add3A_170 = arith.addi %mul3A_168, %add3A_169 : i32
      %dma_wait3A_171 = arith.constant 0 : i32
      %dma_wait3A_172 = arith.constant 0 : i32
      %dma_wait3A_173 = arith.constant 0 : i32
      %dma_wait3A_174 = tpu.memref_slice %arg6[%dma_wait3A_171, %dma_wait3A_172, %dma_wait3A_173] : memref<2x512x64xf32, #tpu.memory_space<vmem>> -> memref<1x512x64xf32, #tpu.memory_space<vmem>>
      %dma_wait3A_175 = tpu.memref_squeeze %dma_wait3A_174 : memref<1x512x64xf32, #tpu.memory_space<vmem>> -> memref<512x64xf32, #tpu.memory_space<vmem>>
      %dma_wait3A_176 = arith.constant 256 : i32
      %dma_wait3A_177 = arith.constant 0 : i32
      %dma_wait3A_178 = tpu.memref_slice %dma_wait3A_175[%dma_wait3A_176, %dma_wait3A_177] : memref<512x64xf32, #tpu.memory_space<vmem>> -> memref<128x64xf32, #tpu.memory_space<vmem>>
      %dma_wait3A_179 = arith.constant 0 : i32
      %dma_wait3A_180 = tpu.memref_slice %arg5[%add3A_170, %dma_wait3A_179] : memref<200x128xi32, #tpu.memory_space<vmem>> -> memref<1x128xi32, #tpu.memory_space<vmem>>
      %dma_wait3A_181 = tpu.memref_squeeze %dma_wait3A_180 : memref<1x128xi32, #tpu.memory_space<vmem>> -> memref<128xi32, #tpu.memory_space<vmem>>
      %dma_wait3A_182 = arith.constant 0 : i32
      %dma_wait3A_183 = arith.constant 0 : i32
      %dma_wait3A_184 = tpu.memref_slice %arg3[%dma_wait3A_182, %dma_wait3A_183] : memref<1000000x64xf32, #tpu.memory_space<hbm>> -> memref<1000000x64xf32, #tpu.memory_space<hbm>>
      tpu.wait_indirect_dma semaphore(%arg7 : memref<!tpu.dma_semaphore, #tpu.memory_space<semaphore_mem>>) src(%dma_wait3A_184 : memref<1000000x64xf32, #tpu.memory_space<hbm>>) dst(%dma_wait3A_178 : memref<128x64xf32, #tpu.memory_space<vmem>>)
      %mul3A_185 = arith.constant 4 : i32
      %mul3A_186 = arith.muli %add3A_131, %mul3A_185 : i32
      %add3A_187 = arith.constant 3 : i32
      %add3A_188 = arith.addi %mul3A_186, %add3A_187 : i32
      %dma_wait3A_189 = arith.constant 0 : i32
      %dma_wait3A_190 = arith.constant 0 : i32
      %dma_wait3A_191 = arith.constant 0 : i32
      %dma_wait3A_192 = tpu.memref_slice %arg6[%dma_wait3A_189, %dma_wait3A_190, %dma_wait3A_191] : memref<2x512x64xf32, #tpu.memory_space<vmem>> -> memref<1x512x64xf32, #tpu.memory_space<vmem>>
      %dma_wait3A_193 = tpu.memref_squeeze %dma_wait3A_192 : memref<1x512x64xf32, #tpu.memory_space<vmem>> -> memref<512x64xf32, #tpu.memory_space<vmem>>
      %dma_wait3A_194 = arith.constant 384 : i32
      %dma_wait3A_195 = arith.constant 0 : i32
      %dma_wait3A_196 = tpu.memref_slice %dma_wait3A_193[%dma_wait3A_194, %dma_wait3A_195] : memref<512x64xf32, #tpu.memory_space<vmem>> -> memref<128x64xf32, #tpu.memory_space<vmem>>
      %dma_wait3A_197 = arith.constant 0 : i32
      %dma_wait3A_198 = tpu.memref_slice %arg5[%add3A_188, %dma_wait3A_197] : memref<200x128xi32, #tpu.memory_space<vmem>> -> memref<1x128xi32, #tpu.memory_space<vmem>>
      %dma_wait3A_199 = tpu.memref_squeeze %dma_wait3A_198 : memref<1x128xi32, #tpu.memory_space<vmem>> -> memref<128xi32, #tpu.memory_space<vmem>>
      %dma_wait3A_200 = arith.constant 0 : i32
      %dma_wait3A_201 = arith.constant 0 : i32
      %dma_wait3A_202 = tpu.memref_slice %arg3[%dma_wait3A_200, %dma_wait3A_201] : memref<1000000x64xf32, #tpu.memory_space<hbm>> -> memref<1000000x64xf32, #tpu.memory_space<hbm>>
      tpu.wait_indirect_dma semaphore(%arg7 : memref<!tpu.dma_semaphore, #tpu.memory_space<semaphore_mem>>) src(%dma_wait3A_202 : memref<1000000x64xf32, #tpu.memory_space<hbm>>) dst(%dma_wait3A_196 : memref<128x64xf32, #tpu.memory_space<vmem>>)
      %mul3A_203 = arith.constant 512 : i32
      %mul3A_204 = arith.muli %add3A_131, %mul3A_203 : i32
      %add3A_205 = arith.addi %mul3A_2, %mul3A_204 : i32
      %run_scoped3A = arith.constant 0 : i32
      "tpu.region"() ({
        %run_scoped3A_297 = tpu.sem_alloc : memref<!tpu.dma_semaphore, #tpu.memory_space<semaphore_mem>>
        %dma_start3A_298 = arith.constant 0 : i32
        %dma_start3A_299 = arith.constant 0 : i32
        %dma_start3A_300 = tpu.memref_slice %arg6[%run_scoped3A, %dma_start3A_298, %dma_start3A_299] : memref<2x512x64xf32, #tpu.memory_space<vmem>> -> memref<1x512x64xf32, #tpu.memory_space<vmem>>
        %dma_start3A_301 = tpu.memref_squeeze %dma_start3A_300 : memref<1x512x64xf32, #tpu.memory_space<vmem>> -> memref<512x64xf32, #tpu.memory_space<vmem>>
        %dma_start3A_302 = arith.constant 0 : i32
        %dma_start3A_303 = tpu.memref_slice %arg4[%add3A_205, %dma_start3A_302] : memref<819200x64xf32, #tpu.memory_space<hbm>> -> memref<512x64xf32, #tpu.memory_space<hbm>>
        %dma_start3A_304 = arith.constant 0 : i32
        %dma_start3A_305 = tpu.memref_slice %arg4[%add3A_205, %dma_start3A_304] : memref<819200x64xf32, #tpu.memory_space<hbm>> -> memref<512x64xf32, #tpu.memory_space<hbm>>
        %dma_start3A_306 = arith.constant 0 : i32
        %dma_start3A_307 = arith.constant 0 : i32
        %dma_start3A_308 = tpu.memref_slice %arg6[%run_scoped3A, %dma_start3A_306, %dma_start3A_307] : memref<2x512x64xf32, #tpu.memory_space<vmem>> -> memref<1x512x64xf32, #tpu.memory_space<vmem>>
        %dma_start3A_309 = tpu.memref_squeeze %dma_start3A_308 : memref<1x512x64xf32, #tpu.memory_space<vmem>> -> memref<512x64xf32, #tpu.memory_space<vmem>>
        tpu.enqueue_dma source(%dma_start3A_309 : memref<512x64xf32, #tpu.memory_space<vmem>>) target(%dma_start3A_305 : memref<512x64xf32, #tpu.memory_space<hbm>>) target_semaphore(%run_scoped3A_297 : memref<!tpu.dma_semaphore, #tpu.memory_space<semaphore_mem>>)
        %dma_wait3A_310 = arith.constant 0 : i32
        %dma_wait3A_311 = arith.constant 0 : i32
        %dma_wait3A_312 = tpu.memref_slice %arg6[%run_scoped3A, %dma_wait3A_310, %dma_wait3A_311] : memref<2x512x64xf32, #tpu.memory_space<vmem>> -> memref<1x512x64xf32, #tpu.memory_space<vmem>>
        %dma_wait3A_313 = tpu.memref_squeeze %dma_wait3A_312 : memref<1x512x64xf32, #tpu.memory_space<vmem>> -> memref<512x64xf32, #tpu.memory_space<vmem>>
        %dma_wait3A_314 = arith.constant 0 : i32
        %dma_wait3A_315 = tpu.memref_slice %arg4[%add3A_205, %dma_wait3A_314] : memref<819200x64xf32, #tpu.memory_space<hbm>> -> memref<512x64xf32, #tpu.memory_space<hbm>>
        %dma_wait3A_316 = arith.constant 0 : i32
        %dma_wait3A_317 = tpu.memref_slice %arg4[%add3A_205, %dma_wait3A_316] : memref<819200x64xf32, #tpu.memory_space<hbm>> -> memref<512x64xf32, #tpu.memory_space<hbm>>
        %dma_wait3A_318 = arith.constant 0 : i32
        %dma_wait3A_319 = arith.constant 0 : i32
        %dma_wait3A_320 = tpu.memref_slice %arg6[%run_scoped3A, %dma_wait3A_318, %dma_wait3A_319] : memref<2x512x64xf32, #tpu.memory_space<vmem>> -> memref<1x512x64xf32, #tpu.memory_space<vmem>>
        %dma_wait3A_321 = tpu.memref_squeeze %dma_wait3A_320 : memref<1x512x64xf32, #tpu.memory_space<vmem>> -> memref<512x64xf32, #tpu.memory_space<vmem>>
        tpu.wait_dma2 semaphore(%run_scoped3A_297 : memref<!tpu.dma_semaphore, #tpu.memory_space<semaphore_mem>>) src(%dma_wait3A_321 : memref<512x64xf32, #tpu.memory_space<vmem>>) dst(%dma_wait3A_317 : memref<512x64xf32, #tpu.memory_space<hbm>>)
        tpu.yield
      }) : () -> ()
      %add3A_206 = arith.constant 2 : i32
      %add3A_207 = arith.addi %add3A_131, %add3A_206 : i32
      %lt3A = arith.constant 50 : i32
      %lt3A_208 = arith.cmpi slt, %add3A_207, %lt3A : i32
      %convert_element_type3A = arith.extui %lt3A_208 : i1 to i32
      %cond3A = arith.constant 0 : i32
      %cond3A_209 = arith.cmpi ne, %convert_element_type3A, %cond3A : i32
      scf.if %cond3A_209 {
        %add3A_297 = arith.constant 2 : i32
        %add3A_298 = arith.addi %add3A_131, %add3A_297 : i32
        %mul3A_299 = arith.constant 4 : i32
        %mul3A_300 = arith.muli %add3A_298, %mul3A_299 : i32
        %add3A_301 = arith.constant 0 : i32
        %add3A_302 = arith.addi %mul3A_300, %add3A_301 : i32
        %dma_start3A_303 = arith.constant 0 : i32
        %dma_start3A_304 = arith.constant 0 : i32
        %dma_start3A_305 = arith.constant 0 : i32
        %dma_start3A_306 = tpu.memref_slice %arg6[%dma_start3A_303, %dma_start3A_304, %dma_start3A_305] : memref<2x512x64xf32, #tpu.memory_space<vmem>> -> memref<1x512x64xf32, #tpu.memory_space<vmem>>
        %dma_start3A_307 = tpu.memref_squeeze %dma_start3A_306 : memref<1x512x64xf32, #tpu.memory_space<vmem>> -> memref<512x64xf32, #tpu.memory_space<vmem>>
        %dma_start3A_308 = arith.constant 0 : i32
        %dma_start3A_309 = arith.constant 0 : i32
        %dma_start3A_310 = tpu.memref_slice %dma_start3A_307[%dma_start3A_308, %dma_start3A_309] : memref<512x64xf32, #tpu.memory_space<vmem>> -> memref<128x64xf32, #tpu.memory_space<vmem>>
        %dma_start3A_311 = arith.constant 0 : i32
        %dma_start3A_312 = tpu.memref_slice %arg5[%add3A_302, %dma_start3A_311] : memref<200x128xi32, #tpu.memory_space<vmem>> -> memref<1x128xi32, #tpu.memory_space<vmem>>
        %dma_start3A_313 = tpu.memref_squeeze %dma_start3A_312 : memref<1x128xi32, #tpu.memory_space<vmem>> -> memref<128xi32, #tpu.memory_space<vmem>>
        %dma_start3A_314 = arith.constant 0 : i32
        %dma_start3A_315 = arith.constant 0 : i32
        %dma_start3A_316 = tpu.memref_slice %arg3[%dma_start3A_314, %dma_start3A_315] : memref<1000000x64xf32, #tpu.memory_space<hbm>> -> memref<1000000x64xf32, #tpu.memory_space<hbm>>
        tpu.enqueue_indirect_dma source(%dma_start3A_316 : memref<1000000x64xf32, #tpu.memory_space<hbm>>) target(%dma_start3A_310 : memref<128x64xf32, #tpu.memory_space<vmem>>) offsets(%dma_start3A_313 : memref<128xi32, #tpu.memory_space<vmem>>) semaphore(%arg7 : memref<!tpu.dma_semaphore, #tpu.memory_space<semaphore_mem>>)
        %mul3A_317 = arith.constant 4 : i32
        %mul3A_318 = arith.muli %add3A_298, %mul3A_317 : i32
        %add3A_319 = arith.constant 1 : i32
        %add3A_320 = arith.addi %mul3A_318, %add3A_319 : i32
        %dma_start3A_321 = arith.constant 0 : i32
        %dma_start3A_322 = arith.constant 0 : i32
        %dma_start3A_323 = arith.constant 0 : i32
        %dma_start3A_324 = tpu.memref_slice %arg6[%dma_start3A_321, %dma_start3A_322, %dma_start3A_323] : memref<2x512x64xf32, #tpu.memory_space<vmem>> -> memref<1x512x64xf32, #tpu.memory_space<vmem>>
        %dma_start3A_325 = tpu.memref_squeeze %dma_start3A_324 : memref<1x512x64xf32, #tpu.memory_space<vmem>> -> memref<512x64xf32, #tpu.memory_space<vmem>>
        %dma_start3A_326 = arith.constant 128 : i32
        %dma_start3A_327 = arith.constant 0 : i32
        %dma_start3A_328 = tpu.memref_slice %dma_start3A_325[%dma_start3A_326, %dma_start3A_327] : memref<512x64xf32, #tpu.memory_space<vmem>> -> memref<128x64xf32, #tpu.memory_space<vmem>>
        %dma_start3A_329 = arith.constant 0 : i32
        %dma_start3A_330 = tpu.memref_slice %arg5[%add3A_320, %dma_start3A_329] : memref<200x128xi32, #tpu.memory_space<vmem>> -> memref<1x128xi32, #tpu.memory_space<vmem>>
        %dma_start3A_331 = tpu.memref_squeeze %dma_start3A_330 : memref<1x128xi32, #tpu.memory_space<vmem>> -> memref<128xi32, #tpu.memory_space<vmem>>
        %dma_start3A_332 = arith.constant 0 : i32
        %dma_start3A_333 = arith.constant 0 : i32
        %dma_start3A_334 = tpu.memref_slice %arg3[%dma_start3A_332, %dma_start3A_333] : memref<1000000x64xf32, #tpu.memory_space<hbm>> -> memref<1000000x64xf32, #tpu.memory_space<hbm>>
        tpu.enqueue_indirect_dma source(%dma_start3A_334 : memref<1000000x64xf32, #tpu.memory_space<hbm>>) target(%dma_start3A_328 : memref<128x64xf32, #tpu.memory_space<vmem>>) offsets(%dma_start3A_331 : memref<128xi32, #tpu.memory_space<vmem>>) semaphore(%arg7 : memref<!tpu.dma_semaphore, #tpu.memory_space<semaphore_mem>>)
        %mul3A_335 = arith.constant 4 : i32
        %mul3A_336 = arith.muli %add3A_298, %mul3A_335 : i32
        %add3A_337 = arith.constant 2 : i32
        %add3A_338 = arith.addi %mul3A_336, %add3A_337 : i32
        %dma_start3A_339 = arith.constant 0 : i32
        %dma_start3A_340 = arith.constant 0 : i32
        %dma_start3A_341 = arith.constant 0 : i32
        %dma_start3A_342 = tpu.memref_slice %arg6[%dma_start3A_339, %dma_start3A_340, %dma_start3A_341] : memref<2x512x64xf32, #tpu.memory_space<vmem>> -> memref<1x512x64xf32, #tpu.memory_space<vmem>>
        %dma_start3A_343 = tpu.memref_squeeze %dma_start3A_342 : memref<1x512x64xf32, #tpu.memory_space<vmem>> -> memref<512x64xf32, #tpu.memory_space<vmem>>
        %dma_start3A_344 = arith.constant 256 : i32
        %dma_start3A_345 = arith.constant 0 : i32
        %dma_start3A_346 = tpu.memref_slice %dma_start3A_343[%dma_start3A_344, %dma_start3A_345] : memref<512x64xf32, #tpu.memory_space<vmem>> -> memref<128x64xf32, #tpu.memory_space<vmem>>
        %dma_start3A_347 = arith.constant 0 : i32
        %dma_start3A_348 = tpu.memref_slice %arg5[%add3A_338, %dma_start3A_347] : memref<200x128xi32, #tpu.memory_space<vmem>> -> memref<1x128xi32, #tpu.memory_space<vmem>>
        %dma_start3A_349 = tpu.memref_squeeze %dma_start3A_348 : memref<1x128xi32, #tpu.memory_space<vmem>> -> memref<128xi32, #tpu.memory_space<vmem>>
        %dma_start3A_350 = arith.constant 0 : i32
        %dma_start3A_351 = arith.constant 0 : i32
        %dma_start3A_352 = tpu.memref_slice %arg3[%dma_start3A_350, %dma_start3A_351] : memref<1000000x64xf32, #tpu.memory_space<hbm>> -> memref<1000000x64xf32, #tpu.memory_space<hbm>>
        tpu.enqueue_indirect_dma source(%dma_start3A_352 : memref<1000000x64xf32, #tpu.memory_space<hbm>>) target(%dma_start3A_346 : memref<128x64xf32, #tpu.memory_space<vmem>>) offsets(%dma_start3A_349 : memref<128xi32, #tpu.memory_space<vmem>>) semaphore(%arg7 : memref<!tpu.dma_semaphore, #tpu.memory_space<semaphore_mem>>)
        %mul3A_353 = arith.constant 4 : i32
        %mul3A_354 = arith.muli %add3A_298, %mul3A_353 : i32
        %add3A_355 = arith.constant 3 : i32
        %add3A_356 = arith.addi %mul3A_354, %add3A_355 : i32
        %dma_start3A_357 = arith.constant 0 : i32
        %dma_start3A_358 = arith.constant 0 : i32
        %dma_start3A_359 = arith.constant 0 : i32
        %dma_start3A_360 = tpu.memref_slice %arg6[%dma_start3A_357, %dma_start3A_358, %dma_start3A_359] : memref<2x512x64xf32, #tpu.memory_space<vmem>> -> memref<1x512x64xf32, #tpu.memory_space<vmem>>
        %dma_start3A_361 = tpu.memref_squeeze %dma_start3A_360 : memref<1x512x64xf32, #tpu.memory_space<vmem>> -> memref<512x64xf32, #tpu.memory_space<vmem>>
        %dma_start3A_362 = arith.constant 384 : i32
        %dma_start3A_363 = arith.constant 0 : i32
        %dma_start3A_364 = tpu.memref_slice %dma_start3A_361[%dma_start3A_362, %dma_start3A_363] : memref<512x64xf32, #tpu.memory_space<vmem>> -> memref<128x64xf32, #tpu.memory_space<vmem>>
        %dma_start3A_365 = arith.constant 0 : i32
        %dma_start3A_366 = tpu.memref_slice %arg5[%add3A_356, %dma_start3A_365] : memref<200x128xi32, #tpu.memory_space<vmem>> -> memref<1x128xi32, #tpu.memory_space<vmem>>
        %dma_start3A_367 = tpu.memref_squeeze %dma_start3A_366 : memref<1x128xi32, #tpu.memory_space<vmem>> -> memref<128xi32, #tpu.memory_space<vmem>>
        %dma_start3A_368 = arith.constant 0 : i32
        %dma_start3A_369 = arith.constant 0 : i32
        %dma_start3A_370 = tpu.memref_slice %arg3[%dma_start3A_368, %dma_start3A_369] : memref<1000000x64xf32, #tpu.memory_space<hbm>> -> memref<1000000x64xf32, #tpu.memory_space<hbm>>
        tpu.enqueue_indirect_dma source(%dma_start3A_370 : memref<1000000x64xf32, #tpu.memory_space<hbm>>) target(%dma_start3A_364 : memref<128x64xf32, #tpu.memory_space<vmem>>) offsets(%dma_start3A_367 : memref<128xi32, #tpu.memory_space<vmem>>) semaphore(%arg7 : memref<!tpu.dma_semaphore, #tpu.memory_space<semaphore_mem>>)
      } else {
      }
      %mul3A_210 = arith.constant 2 : i32
      %mul3A_211 = arith.muli %scan3A_127, %mul3A_210 : i32
      %add3A_212 = arith.constant 1 : i32
      %add3A_213 = arith.addi %mul3A_211, %add3A_212 : i32
      %mul3A_214 = arith.constant 4 : i32
      %mul3A_215 = arith.muli %add3A_213, %mul3A_214 : i32
      %add3A_216 = arith.constant 0 : i32
      %add3A_217 = arith.addi %mul3A_215, %add3A_216 : i32
      %dma_wait3A_218 = arith.constant 1 : i32
      %dma_wait3A_219 = arith.constant 0 : i32
      %dma_wait3A_220 = arith.constant 0 : i32
      %dma_wait3A_221 = tpu.memref_slice %arg6[%dma_wait3A_218, %dma_wait3A_219, %dma_wait3A_220] : memref<2x512x64xf32, #tpu.memory_space<vmem>> -> memref<1x512x64xf32, #tpu.memory_space<vmem>>
      %dma_wait3A_222 = tpu.memref_squeeze %dma_wait3A_221 : memref<1x512x64xf32, #tpu.memory_space<vmem>> -> memref<512x64xf32, #tpu.memory_space<vmem>>
      %dma_wait3A_223 = arith.constant 0 : i32
      %dma_wait3A_224 = arith.constant 0 : i32
      %dma_wait3A_225 = tpu.memref_slice %dma_wait3A_222[%dma_wait3A_223, %dma_wait3A_224] : memref<512x64xf32, #tpu.memory_space<vmem>> -> memref<128x64xf32, #tpu.memory_space<vmem>>
      %dma_wait3A_226 = arith.constant 0 : i32
      %dma_wait3A_227 = tpu.memref_slice %arg5[%add3A_217, %dma_wait3A_226] : memref<200x128xi32, #tpu.memory_space<vmem>> -> memref<1x128xi32, #tpu.memory_space<vmem>>
      %dma_wait3A_228 = tpu.memref_squeeze %dma_wait3A_227 : memref<1x128xi32, #tpu.memory_space<vmem>> -> memref<128xi32, #tpu.memory_space<vmem>>
      %dma_wait3A_229 = arith.constant 0 : i32
      %dma_wait3A_230 = arith.constant 0 : i32
      %dma_wait3A_231 = tpu.memref_slice %arg3[%dma_wait3A_229, %dma_wait3A_230] : memref<1000000x64xf32, #tpu.memory_space<hbm>> -> memref<1000000x64xf32, #tpu.memory_space<hbm>>
      tpu.wait_indirect_dma semaphore(%arg8 : memref<!tpu.dma_semaphore, #tpu.memory_space<semaphore_mem>>) src(%dma_wait3A_231 : memref<1000000x64xf32, #tpu.memory_space<hbm>>) dst(%dma_wait3A_225 : memref<128x64xf32, #tpu.memory_space<vmem>>)
      %mul3A_232 = arith.constant 4 : i32
      %mul3A_233 = arith.muli %add3A_213, %mul3A_232 : i32
      %add3A_234 = arith.constant 1 : i32
      %add3A_235 = arith.addi %mul3A_233, %add3A_234 : i32
      %dma_wait3A_236 = arith.constant 1 : i32
      %dma_wait3A_237 = arith.constant 0 : i32
      %dma_wait3A_238 = arith.constant 0 : i32
      %dma_wait3A_239 = tpu.memref_slice %arg6[%dma_wait3A_236, %dma_wait3A_237, %dma_wait3A_238] : memref<2x512x64xf32, #tpu.memory_space<vmem>> -> memref<1x512x64xf32, #tpu.memory_space<vmem>>
      %dma_wait3A_240 = tpu.memref_squeeze %dma_wait3A_239 : memref<1x512x64xf32, #tpu.memory_space<vmem>> -> memref<512x64xf32, #tpu.memory_space<vmem>>
      %dma_wait3A_241 = arith.constant 128 : i32
      %dma_wait3A_242 = arith.constant 0 : i32
      %dma_wait3A_243 = tpu.memref_slice %dma_wait3A_240[%dma_wait3A_241, %dma_wait3A_242] : memref<512x64xf32, #tpu.memory_space<vmem>> -> memref<128x64xf32, #tpu.memory_space<vmem>>
      %dma_wait3A_244 = arith.constant 0 : i32
      %dma_wait3A_245 = tpu.memref_slice %arg5[%add3A_235, %dma_wait3A_244] : memref<200x128xi32, #tpu.memory_space<vmem>> -> memref<1x128xi32, #tpu.memory_space<vmem>>
      %dma_wait3A_246 = tpu.memref_squeeze %dma_wait3A_245 : memref<1x128xi32, #tpu.memory_space<vmem>> -> memref<128xi32, #tpu.memory_space<vmem>>
      %dma_wait3A_247 = arith.constant 0 : i32
      %dma_wait3A_248 = arith.constant 0 : i32
      %dma_wait3A_249 = tpu.memref_slice %arg3[%dma_wait3A_247, %dma_wait3A_248] : memref<1000000x64xf32, #tpu.memory_space<hbm>> -> memref<1000000x64xf32, #tpu.memory_space<hbm>>
      tpu.wait_indirect_dma semaphore(%arg8 : memref<!tpu.dma_semaphore, #tpu.memory_space<semaphore_mem>>) src(%dma_wait3A_249 : memref<1000000x64xf32, #tpu.memory_space<hbm>>) dst(%dma_wait3A_243 : memref<128x64xf32, #tpu.memory_space<vmem>>)
      %mul3A_250 = arith.constant 4 : i32
      %mul3A_251 = arith.muli %add3A_213, %mul3A_250 : i32
      %add3A_252 = arith.constant 2 : i32
      %add3A_253 = arith.addi %mul3A_251, %add3A_252 : i32
      %dma_wait3A_254 = arith.constant 1 : i32
      %dma_wait3A_255 = arith.constant 0 : i32
      %dma_wait3A_256 = arith.constant 0 : i32
      %dma_wait3A_257 = tpu.memref_slice %arg6[%dma_wait3A_254, %dma_wait3A_255, %dma_wait3A_256] : memref<2x512x64xf32, #tpu.memory_space<vmem>> -> memref<1x512x64xf32, #tpu.memory_space<vmem>>
      %dma_wait3A_258 = tpu.memref_squeeze %dma_wait3A_257 : memref<1x512x64xf32, #tpu.memory_space<vmem>> -> memref<512x64xf32, #tpu.memory_space<vmem>>
      %dma_wait3A_259 = arith.constant 256 : i32
      %dma_wait3A_260 = arith.constant 0 : i32
      %dma_wait3A_261 = tpu.memref_slice %dma_wait3A_258[%dma_wait3A_259, %dma_wait3A_260] : memref<512x64xf32, #tpu.memory_space<vmem>> -> memref<128x64xf32, #tpu.memory_space<vmem>>
      %dma_wait3A_262 = arith.constant 0 : i32
      %dma_wait3A_263 = tpu.memref_slice %arg5[%add3A_253, %dma_wait3A_262] : memref<200x128xi32, #tpu.memory_space<vmem>> -> memref<1x128xi32, #tpu.memory_space<vmem>>
      %dma_wait3A_264 = tpu.memref_squeeze %dma_wait3A_263 : memref<1x128xi32, #tpu.memory_space<vmem>> -> memref<128xi32, #tpu.memory_space<vmem>>
      %dma_wait3A_265 = arith.constant 0 : i32
      %dma_wait3A_266 = arith.constant 0 : i32
      %dma_wait3A_267 = tpu.memref_slice %arg3[%dma_wait3A_265, %dma_wait3A_266] : memref<1000000x64xf32, #tpu.memory_space<hbm>> -> memref<1000000x64xf32, #tpu.memory_space<hbm>>
      tpu.wait_indirect_dma semaphore(%arg8 : memref<!tpu.dma_semaphore, #tpu.memory_space<semaphore_mem>>) src(%dma_wait3A_267 : memref<1000000x64xf32, #tpu.memory_space<hbm>>) dst(%dma_wait3A_261 : memref<128x64xf32, #tpu.memory_space<vmem>>)
      %mul3A_268 = arith.constant 4 : i32
      %mul3A_269 = arith.muli %add3A_213, %mul3A_268 : i32
      %add3A_270 = arith.constant 3 : i32
      %add3A_271 = arith.addi %mul3A_269, %add3A_270 : i32
      %dma_wait3A_272 = arith.constant 1 : i32
      %dma_wait3A_273 = arith.constant 0 : i32
      %dma_wait3A_274 = arith.constant 0 : i32
      %dma_wait3A_275 = tpu.memref_slice %arg6[%dma_wait3A_272, %dma_wait3A_273, %dma_wait3A_274] : memref<2x512x64xf32, #tpu.memory_space<vmem>> -> memref<1x512x64xf32, #tpu.memory_space<vmem>>
      %dma_wait3A_276 = tpu.memref_squeeze %dma_wait3A_275 : memref<1x512x64xf32, #tpu.memory_space<vmem>> -> memref<512x64xf32, #tpu.memory_space<vmem>>
      %dma_wait3A_277 = arith.constant 384 : i32
      %dma_wait3A_278 = arith.constant 0 : i32
      %dma_wait3A_279 = tpu.memref_slice %dma_wait3A_276[%dma_wait3A_277, %dma_wait3A_278] : memref<512x64xf32, #tpu.memory_space<vmem>> -> memref<128x64xf32, #tpu.memory_space<vmem>>
      %dma_wait3A_280 = arith.constant 0 : i32
      %dma_wait3A_281 = tpu.memref_slice %arg5[%add3A_271, %dma_wait3A_280] : memref<200x128xi32, #tpu.memory_space<vmem>> -> memref<1x128xi32, #tpu.memory_space<vmem>>
      %dma_wait3A_282 = tpu.memref_squeeze %dma_wait3A_281 : memref<1x128xi32, #tpu.memory_space<vmem>> -> memref<128xi32, #tpu.memory_space<vmem>>
      %dma_wait3A_283 = arith.constant 0 : i32
      %dma_wait3A_284 = arith.constant 0 : i32
      %dma_wait3A_285 = tpu.memref_slice %arg3[%dma_wait3A_283, %dma_wait3A_284] : memref<1000000x64xf32, #tpu.memory_space<hbm>> -> memref<1000000x64xf32, #tpu.memory_space<hbm>>
      tpu.wait_indirect_dma semaphore(%arg8 : memref<!tpu.dma_semaphore, #tpu.memory_space<semaphore_mem>>) src(%dma_wait3A_285 : memref<1000000x64xf32, #tpu.memory_space<hbm>>) dst(%dma_wait3A_279 : memref<128x64xf32, #tpu.memory_space<vmem>>)
      %mul3A_286 = arith.constant 512 : i32
      %mul3A_287 = arith.muli %add3A_213, %mul3A_286 : i32
      %add3A_288 = arith.addi %mul3A_2, %mul3A_287 : i32
      %run_scoped3A_289 = arith.constant 1 : i32
      "tpu.region"() ({
        %run_scoped3A_297 = tpu.sem_alloc : memref<!tpu.dma_semaphore, #tpu.memory_space<semaphore_mem>>
        %dma_start3A_298 = arith.constant 0 : i32
        %dma_start3A_299 = arith.constant 0 : i32
        %dma_start3A_300 = tpu.memref_slice %arg6[%run_scoped3A_289, %dma_start3A_298, %dma_start3A_299] : memref<2x512x64xf32, #tpu.memory_space<vmem>> -> memref<1x512x64xf32, #tpu.memory_space<vmem>>
        %dma_start3A_301 = tpu.memref_squeeze %dma_start3A_300 : memref<1x512x64xf32, #tpu.memory_space<vmem>> -> memref<512x64xf32, #tpu.memory_space<vmem>>
        %dma_start3A_302 = arith.constant 0 : i32
        %dma_start3A_303 = tpu.memref_slice %arg4[%add3A_288, %dma_start3A_302] : memref<819200x64xf32, #tpu.memory_space<hbm>> -> memref<512x64xf32, #tpu.memory_space<hbm>>
        %dma_start3A_304 = arith.constant 0 : i32
        %dma_start3A_305 = tpu.memref_slice %arg4[%add3A_288, %dma_start3A_304] : memref<819200x64xf32, #tpu.memory_space<hbm>> -> memref<512x64xf32, #tpu.memory_space<hbm>>
        %dma_start3A_306 = arith.constant 0 : i32
        %dma_start3A_307 = arith.constant 0 : i32
        %dma_start3A_308 = tpu.memref_slice %arg6[%run_scoped3A_289, %dma_start3A_306, %dma_start3A_307] : memref<2x512x64xf32, #tpu.memory_space<vmem>> -> memref<1x512x64xf32, #tpu.memory_space<vmem>>
        %dma_start3A_309 = tpu.memref_squeeze %dma_start3A_308 : memref<1x512x64xf32, #tpu.memory_space<vmem>> -> memref<512x64xf32, #tpu.memory_space<vmem>>
        tpu.enqueue_dma source(%dma_start3A_309 : memref<512x64xf32, #tpu.memory_space<vmem>>) target(%dma_start3A_305 : memref<512x64xf32, #tpu.memory_space<hbm>>) target_semaphore(%run_scoped3A_297 : memref<!tpu.dma_semaphore, #tpu.memory_space<semaphore_mem>>)
        %dma_wait3A_310 = arith.constant 0 : i32
        %dma_wait3A_311 = arith.constant 0 : i32
        %dma_wait3A_312 = tpu.memref_slice %arg6[%run_scoped3A_289, %dma_wait3A_310, %dma_wait3A_311] : memref<2x512x64xf32, #tpu.memory_space<vmem>> -> memref<1x512x64xf32, #tpu.memory_space<vmem>>
        %dma_wait3A_313 = tpu.memref_squeeze %dma_wait3A_312 : memref<1x512x64xf32, #tpu.memory_space<vmem>> -> memref<512x64xf32, #tpu.memory_space<vmem>>
        %dma_wait3A_314 = arith.constant 0 : i32
        %dma_wait3A_315 = tpu.memref_slice %arg4[%add3A_288, %dma_wait3A_314] : memref<819200x64xf32, #tpu.memory_space<hbm>> -> memref<512x64xf32, #tpu.memory_space<hbm>>
        %dma_wait3A_316 = arith.constant 0 : i32
        %dma_wait3A_317 = tpu.memref_slice %arg4[%add3A_288, %dma_wait3A_316] : memref<819200x64xf32, #tpu.memory_space<hbm>> -> memref<512x64xf32, #tpu.memory_space<hbm>>
        %dma_wait3A_318 = arith.constant 0 : i32
        %dma_wait3A_319 = arith.constant 0 : i32
        %dma_wait3A_320 = tpu.memref_slice %arg6[%run_scoped3A_289, %dma_wait3A_318, %dma_wait3A_319] : memref<2x512x64xf32, #tpu.memory_space<vmem>> -> memref<1x512x64xf32, #tpu.memory_space<vmem>>
        %dma_wait3A_321 = tpu.memref_squeeze %dma_wait3A_320 : memref<1x512x64xf32, #tpu.memory_space<vmem>> -> memref<512x64xf32, #tpu.memory_space<vmem>>
        tpu.wait_dma2 semaphore(%run_scoped3A_297 : memref<!tpu.dma_semaphore, #tpu.memory_space<semaphore_mem>>) src(%dma_wait3A_321 : memref<512x64xf32, #tpu.memory_space<vmem>>) dst(%dma_wait3A_317 : memref<512x64xf32, #tpu.memory_space<hbm>>)
        tpu.yield
      }) : () -> ()
      %add3A_290 = arith.constant 2 : i32
      %add3A_291 = arith.addi %add3A_213, %add3A_290 : i32
      %lt3A_292 = arith.constant 50 : i32
      %lt3A_293 = arith.cmpi slt, %add3A_291, %lt3A_292 : i32
      %convert_element_type3A_294 = arith.extui %lt3A_293 : i1 to i32
      %cond3A_295 = arith.constant 0 : i32
      %cond3A_296 = arith.cmpi ne, %convert_element_type3A_294, %cond3A_295 : i32
      scf.if %cond3A_296 {
        %add3A_297 = arith.constant 2 : i32
        %add3A_298 = arith.addi %add3A_213, %add3A_297 : i32
        %mul3A_299 = arith.constant 4 : i32
        %mul3A_300 = arith.muli %add3A_298, %mul3A_299 : i32
        %add3A_301 = arith.constant 0 : i32
        %add3A_302 = arith.addi %mul3A_300, %add3A_301 : i32
        %dma_start3A_303 = arith.constant 1 : i32
        %dma_start3A_304 = arith.constant 0 : i32
        %dma_start3A_305 = arith.constant 0 : i32
        %dma_start3A_306 = tpu.memref_slice %arg6[%dma_start3A_303, %dma_start3A_304, %dma_start3A_305] : memref<2x512x64xf32, #tpu.memory_space<vmem>> -> memref<1x512x64xf32, #tpu.memory_space<vmem>>
        %dma_start3A_307 = tpu.memref_squeeze %dma_start3A_306 : memref<1x512x64xf32, #tpu.memory_space<vmem>> -> memref<512x64xf32, #tpu.memory_space<vmem>>
        %dma_start3A_308 = arith.constant 0 : i32
        %dma_start3A_309 = arith.constant 0 : i32
        %dma_start3A_310 = tpu.memref_slice %dma_start3A_307[%dma_start3A_308, %dma_start3A_309] : memref<512x64xf32, #tpu.memory_space<vmem>> -> memref<128x64xf32, #tpu.memory_space<vmem>>
        %dma_start3A_311 = arith.constant 0 : i32
        %dma_start3A_312 = tpu.memref_slice %arg5[%add3A_302, %dma_start3A_311] : memref<200x128xi32, #tpu.memory_space<vmem>> -> memref<1x128xi32, #tpu.memory_space<vmem>>
        %dma_start3A_313 = tpu.memref_squeeze %dma_start3A_312 : memref<1x128xi32, #tpu.memory_space<vmem>> -> memref<128xi32, #tpu.memory_space<vmem>>
        %dma_start3A_314 = arith.constant 0 : i32
        %dma_start3A_315 = arith.constant 0 : i32
        %dma_start3A_316 = tpu.memref_slice %arg3[%dma_start3A_314, %dma_start3A_315] : memref<1000000x64xf32, #tpu.memory_space<hbm>> -> memref<1000000x64xf32, #tpu.memory_space<hbm>>
        tpu.enqueue_indirect_dma source(%dma_start3A_316 : memref<1000000x64xf32, #tpu.memory_space<hbm>>) target(%dma_start3A_310 : memref<128x64xf32, #tpu.memory_space<vmem>>) offsets(%dma_start3A_313 : memref<128xi32, #tpu.memory_space<vmem>>) semaphore(%arg8 : memref<!tpu.dma_semaphore, #tpu.memory_space<semaphore_mem>>)
        %mul3A_317 = arith.constant 4 : i32
        %mul3A_318 = arith.muli %add3A_298, %mul3A_317 : i32
        %add3A_319 = arith.constant 1 : i32
        %add3A_320 = arith.addi %mul3A_318, %add3A_319 : i32
        %dma_start3A_321 = arith.constant 1 : i32
        %dma_start3A_322 = arith.constant 0 : i32
        %dma_start3A_323 = arith.constant 0 : i32
        %dma_start3A_324 = tpu.memref_slice %arg6[%dma_start3A_321, %dma_start3A_322, %dma_start3A_323] : memref<2x512x64xf32, #tpu.memory_space<vmem>> -> memref<1x512x64xf32, #tpu.memory_space<vmem>>
        %dma_start3A_325 = tpu.memref_squeeze %dma_start3A_324 : memref<1x512x64xf32, #tpu.memory_space<vmem>> -> memref<512x64xf32, #tpu.memory_space<vmem>>
        %dma_start3A_326 = arith.constant 128 : i32
        %dma_start3A_327 = arith.constant 0 : i32
        %dma_start3A_328 = tpu.memref_slice %dma_start3A_325[%dma_start3A_326, %dma_start3A_327] : memref<512x64xf32, #tpu.memory_space<vmem>> -> memref<128x64xf32, #tpu.memory_space<vmem>>
        %dma_start3A_329 = arith.constant 0 : i32
        %dma_start3A_330 = tpu.memref_slice %arg5[%add3A_320, %dma_start3A_329] : memref<200x128xi32, #tpu.memory_space<vmem>> -> memref<1x128xi32, #tpu.memory_space<vmem>>
        %dma_start3A_331 = tpu.memref_squeeze %dma_start3A_330 : memref<1x128xi32, #tpu.memory_space<vmem>> -> memref<128xi32, #tpu.memory_space<vmem>>
        %dma_start3A_332 = arith.constant 0 : i32
        %dma_start3A_333 = arith.constant 0 : i32
        %dma_start3A_334 = tpu.memref_slice %arg3[%dma_start3A_332, %dma_start3A_333] : memref<1000000x64xf32, #tpu.memory_space<hbm>> -> memref<1000000x64xf32, #tpu.memory_space<hbm>>
        tpu.enqueue_indirect_dma source(%dma_start3A_334 : memref<1000000x64xf32, #tpu.memory_space<hbm>>) target(%dma_start3A_328 : memref<128x64xf32, #tpu.memory_space<vmem>>) offsets(%dma_start3A_331 : memref<128xi32, #tpu.memory_space<vmem>>) semaphore(%arg8 : memref<!tpu.dma_semaphore, #tpu.memory_space<semaphore_mem>>)
        %mul3A_335 = arith.constant 4 : i32
        %mul3A_336 = arith.muli %add3A_298, %mul3A_335 : i32
        %add3A_337 = arith.constant 2 : i32
        %add3A_338 = arith.addi %mul3A_336, %add3A_337 : i32
        %dma_start3A_339 = arith.constant 1 : i32
        %dma_start3A_340 = arith.constant 0 : i32
        %dma_start3A_341 = arith.constant 0 : i32
        %dma_start3A_342 = tpu.memref_slice %arg6[%dma_start3A_339, %dma_start3A_340, %dma_start3A_341] : memref<2x512x64xf32, #tpu.memory_space<vmem>> -> memref<1x512x64xf32, #tpu.memory_space<vmem>>
        %dma_start3A_343 = tpu.memref_squeeze %dma_start3A_342 : memref<1x512x64xf32, #tpu.memory_space<vmem>> -> memref<512x64xf32, #tpu.memory_space<vmem>>
        %dma_start3A_344 = arith.constant 256 : i32
        %dma_start3A_345 = arith.constant 0 : i32
        %dma_start3A_346 = tpu.memref_slice %dma_start3A_343[%dma_start3A_344, %dma_start3A_345] : memref<512x64xf32, #tpu.memory_space<vmem>> -> memref<128x64xf32, #tpu.memory_space<vmem>>
        %dma_start3A_347 = arith.constant 0 : i32
        %dma_start3A_348 = tpu.memref_slice %arg5[%add3A_338, %dma_start3A_347] : memref<200x128xi32, #tpu.memory_space<vmem>> -> memref<1x128xi32, #tpu.memory_space<vmem>>
        %dma_start3A_349 = tpu.memref_squeeze %dma_start3A_348 : memref<1x128xi32, #tpu.memory_space<vmem>> -> memref<128xi32, #tpu.memory_space<vmem>>
        %dma_start3A_350 = arith.constant 0 : i32
        %dma_start3A_351 = arith.constant 0 : i32
        %dma_start3A_352 = tpu.memref_slice %arg3[%dma_start3A_350, %dma_start3A_351] : memref<1000000x64xf32, #tpu.memory_space<hbm>> -> memref<1000000x64xf32, #tpu.memory_space<hbm>>
        tpu.enqueue_indirect_dma source(%dma_start3A_352 : memref<1000000x64xf32, #tpu.memory_space<hbm>>) target(%dma_start3A_346 : memref<128x64xf32, #tpu.memory_space<vmem>>) offsets(%dma_start3A_349 : memref<128xi32, #tpu.memory_space<vmem>>) semaphore(%arg8 : memref<!tpu.dma_semaphore, #tpu.memory_space<semaphore_mem>>)
        %mul3A_353 = arith.constant 4 : i32
        %mul3A_354 = arith.muli %add3A_298, %mul3A_353 : i32
        %add3A_355 = arith.constant 3 : i32
        %add3A_356 = arith.addi %mul3A_354, %add3A_355 : i32
        %dma_start3A_357 = arith.constant 1 : i32
        %dma_start3A_358 = arith.constant 0 : i32
        %dma_start3A_359 = arith.constant 0 : i32
        %dma_start3A_360 = tpu.memref_slice %arg6[%dma_start3A_357, %dma_start3A_358, %dma_start3A_359] : memref<2x512x64xf32, #tpu.memory_space<vmem>> -> memref<1x512x64xf32, #tpu.memory_space<vmem>>
        %dma_start3A_361 = tpu.memref_squeeze %dma_start3A_360 : memref<1x512x64xf32, #tpu.memory_space<vmem>> -> memref<512x64xf32, #tpu.memory_space<vmem>>
        %dma_start3A_362 = arith.constant 384 : i32
        %dma_start3A_363 = arith.constant 0 : i32
        %dma_start3A_364 = tpu.memref_slice %dma_start3A_361[%dma_start3A_362, %dma_start3A_363] : memref<512x64xf32, #tpu.memory_space<vmem>> -> memref<128x64xf32, #tpu.memory_space<vmem>>
        %dma_start3A_365 = arith.constant 0 : i32
        %dma_start3A_366 = tpu.memref_slice %arg5[%add3A_356, %dma_start3A_365] : memref<200x128xi32, #tpu.memory_space<vmem>> -> memref<1x128xi32, #tpu.memory_space<vmem>>
        %dma_start3A_367 = tpu.memref_squeeze %dma_start3A_366 : memref<1x128xi32, #tpu.memory_space<vmem>> -> memref<128xi32, #tpu.memory_space<vmem>>
        %dma_start3A_368 = arith.constant 0 : i32
        %dma_start3A_369 = arith.constant 0 : i32
        %dma_start3A_370 = tpu.memref_slice %arg3[%dma_start3A_368, %dma_start3A_369] : memref<1000000x64xf32, #tpu.memory_space<hbm>> -> memref<1000000x64xf32, #tpu.memory_space<hbm>>
        tpu.enqueue_indirect_dma source(%dma_start3A_370 : memref<1000000x64xf32, #tpu.memory_space<hbm>>) target(%dma_start3A_364 : memref<128x64xf32, #tpu.memory_space<vmem>>) offsets(%dma_start3A_367 : memref<128xi32, #tpu.memory_space<vmem>>) semaphore(%arg8 : memref<!tpu.dma_semaphore, #tpu.memory_space<semaphore_mem>>)
      } else {
      }
    }
    %scan3A_126 = arith.constant 25 : i32
    return
  }
}

</mosaic_0001>

<sc_bundles>
// kernel: kernel.3.cloned.1.call-start
scs
__scs_entry_jumppad:
0x0: {  	(pc) =	sbr.rel $0x88, $3  }
0x1: {  	(tag) =	ssettag $0x0;
	lr =	simm.s32 $0x1  }
0x2: {  	[smem:$0x3F9F] =	sst lr;
	_ =	strace $0xD0000000  }
0x3: {  	_ = 	snop  }
0x4: {  	_ = 	snop  }
0x5: {  	_ = 	snop  }
0x6: {  	_ = 	snop  }
0x7: {  	_ = 	snop  }
__scs_overlays_trampoline_lowered:
0x8: {  	[smem:$0x3FAE] =	sst s0  }
0x9: {  	[smem:$0x3FAF] =	sst s1  }
0xa: {  	[smem:$0x3FB0] =	sst s2  }
0xb: {  	[smem:$0x3FB1] =	sst s3  }
0xc: {  	[smem:$0x3FB2] =	sst s4  }
0xd: {  	[smem:$0x3FB3] =	sst s5  }
0xe: {  	[smem:$0x3FB4] =	sst s6  }
0xf: {  	[smem:$0x3FB5] =	sst s7  }
0x10: {  	[smem:$0x3FB6] =	sst s8  }
0x11: {  	[smem:$0x3FB7] =	sst s9;
	s0 =	simm.s32 @!p0 $0x0  }
0x12: {  	s1 =	sld [smem:$0x3F9D];
	s0 =	simm.s32 @p0 $0x1  }
0x13: {  	[smem:$0x3FB8] =	sst s0;
	s0 =	simm.s32 @!p1 $0x0  }
0x14: {  	s2 =	sld [smem:$0x3F9C];
	s0 =	simm.s32 @p1 $0x1  }
0x15: {  	[smem:$0x3FB9] =	sst s0;
	s0 =	simm.s32 @!p2 $0x0  }
0x16: {  	s3 =	sld [smem:$0x3FDB];
	s0 =	simm.s32 @p2 $0x1  }
0x17: {  	s4 =	simm.s32 $0x1BF5;
	[smem:$0x3FBB] =	sst s0  }
0x18: {  	s0 =	sld [smem:$0x3F9E];
	_ =	swait.ge [sflag:s4], $0x0  }
0x19: {  	s7 =	sld [smem:$0x3F9F]  }
0x1a: {  	s8 =	sadd.s32 $0xFFFFE003, lr  }
0x1b: {  	s9 =	sadd.s32 $0xFFFFFEF7, lr;
	s5 =	simm.s32 $0xFFFFFFFF;
	p2 =	slt.u32 s8, $0xFFFFF086  }
0x1c: {  	p1 =	slt.u32 s9, $0xF7A;
	s5 =	simm.s32 @!p2 $0x0  }
0x1d: {  	s5 =	simm.s32 @p1 $0x1;
	p0 =	seq.s32 s7, s2  }
0x1e: {  	s7 =	smul.u32 @!p0 $0xF7A, s2;
	p2 =	seq.s32 @!p0 s5, $0x0  }
0x1f: {  	s9 =	smul.u32 $0xF7A, s1;
	s8 =	simm.s32 @!p0 $0x1BF5;
	p2 =	por !p2, p0  }
0x20: {  	[sflag:s8] =	ssyncset.s32 @!p0 $0xFFFFF086;
	s6 =	sadd.s32 @!p0 s3, s7;
	s7 =	simm.s32 @!p0 $0x108  }
0x21: {  	s3 =	sadd.s32 s3, s9;
	s6 =	sadd.s32 @!p0 $0x88, s6;
	s7 =	simm.s32 @p2 $0x1082  }
0x22: {  	[simem:s7], [sflag:s8] =	dma.local @!p0 [hbm:s6], $0xF7A  }
0x23: {  	s9 =	sor.u32 $0xD0000000, s2;
	s6 =	simm.s32 $0x108;
	_ =	swait.ge @!p0 [sflag:s8], $0x0  }
0x24: {  	s3 =	sadd.s32 $0x88, s3;
	s6 =	simm.s32 @!p1 $0x1082;
	[sflag:s4] =	ssyncset.s32 $0xFFFFF086  }
0x25: {  	[simem:s6], [sflag:s4] =	dma.local [hbm:s3], $0xF7A  }
0x26: {  	[smem:$0x3F9F] =	sst s1;
	(tag) =	ssettag s2;
	_ =	strace s9  }
0x27: {  	s1 =	sld [smem:$0x3FAF]  }
0x28: {  	s2 =	sld [smem:$0x3FB0]  }
0x29: {  	s4 =	sld [smem:$0x3FB2]  }
0x2a: {  	p0 =	seq.s32 s5, $0x0;
	s5 =	sld [smem:$0x3FB3]  }
0x2b: {  	s6 =	sld [smem:$0x3FB4]  }
0x2c: {  	s7 =	sld [smem:$0x3FB5]  }
0x2d: {  	s3 =	simm.s32 $0x108;
	s8 =	sld [smem:$0x3FB6]  }
0x2e: {  	s3 =	simm.s32 @!p0 $0x1082;
	s9 =	sld [smem:$0x3FB7]  }
0x2f: {  	lr =	sadd.s32 s0, s3;
	s0 =	sld [smem:$0x3FAE]  }
0x30: {  	s3 =	sld [smem:$0x3FB1]  }
0x31: {  	[smem:$0x3FBA] =	sst s10  }
0x32: {  	s10 =	sld [smem:$0x3FB8];
	_ =	sdelay $0x3  }
0x33: {  	p0 =	seq.s32 s10, $0x1;
	s10 =	sld [smem:$0x3FBA];
	_ =	sdelay $0x3  }
0x34: {  	[smem:$0x3FBA] =	sst s10  }
0x35: {  	s10 =	sld [smem:$0x3FB9];
	_ =	sdelay $0x3  }
0x36: {  	p1 =	seq.s32 s10, $0x1;
	s10 =	sld [smem:$0x3FBA];
	_ =	sdelay $0x3  }
0x37: {  	[smem:$0x3FBA] =	sst s10  }
0x38: {  	s10 =	sld [smem:$0x3FBB]  }
0x39: {  	_ = 	snop;
	(pc) =	sbr.ind lr, $3  }
0x3a: {  	_ = 	snop  }
0x3b: {  	_ = 	snop  }
0x3c: {  	p2 =	seq.s32 s10, $0x1;
	s10 =	sld [smem:$0x3FBA]  }
0x3d: {  	_ =	shalt  }
0x3e: {  	_ =	shalt  }
0x3f: {  	_ =	shalt  }
0x40: {  	_ =	shalt  }
0x41: {  	_ =	shalt  }
0x42: {  	_ =	shalt  }
0x43: {  	_ =	shalt  }
0x44: {  	_ =	shalt  }
0x45: {  	_ =	shalt  }
0x46: {  	_ =	shalt  }
0x47: {  	_ =	shalt  }
0x48: {  	_ =	shalt  }
0x49: {  	_ =	shalt  }
0x4a: {  	_ =	shalt  }
0x4b: {  	_ =	shalt  }
0x4c: {  	_ =	shalt  }
0x4d: {  	_ =	shalt  }
0x4e: {  	_ =	shalt  }
0x4f: {  	_ =	shalt  }
0x50: {  	_ =	shalt  }
0x51: {  	_ =	shalt  }
0x52: {  	_ =	shalt  }
0x53: {  	_ =	shalt  }
0x54: {  	_ =	shalt  }
0x55: {  	_ =	shalt  }
0x56: {  	_ =	shalt  }
0x57: {  	_ =	shalt  }
0x58: {  	_ =	shalt  }
0x59: {  	_ =	shalt  }
0x5a: {  	_ =	shalt  }
0x5b: {  	_ =	shalt  }
0x5c: {  	_ =	shalt  }
0x5d: {  	_ =	shalt  }
0x5e: {  	_ =	shalt  }
0x5f: {  	_ =	shalt  }
0x60: {  	_ =	shalt  }
0x61: {  	_ =	shalt  }
0x62: {  	_ =	shalt  }
0x63: {  	_ =	shalt  }
0x64: {  	_ =	shalt  }
0x65: {  	_ =	shalt  }
0x66: {  	_ =	shalt  }
0x67: {  	_ =	shalt  }
0x68: {  	_ =	shalt  }
0x69: {  	_ =	shalt  }
0x6a: {  	_ =	shalt  }
0x6b: {  	_ =	shalt  }
0x6c: {  	_ =	shalt  }
0x6d: {  	_ =	shalt  }
0x6e: {  	_ =	shalt  }
0x6f: {  	_ =	shalt  }
0x70: {  	_ =	shalt  }
0x71: {  	_ =	shalt  }
0x72: {  	_ =	shalt  }
0x73: {  	_ =	shalt  }
0x74: {  	_ =	shalt  }
0x75: {  	_ =	shalt  }
0x76: {  	_ =	shalt  }
0x77: {  	_ =	shalt  }
0x78: {  	_ =	shalt  }
0x79: {  	_ =	shalt  }
0x7a: {  	_ =	shalt  }
0x7b: {  	_ =	shalt  }
0x7c: {  	_ =	shalt  }
0x7d: {  	_ =	shalt  }
0x7e: {  	_ =	shalt  }
0x7f: {  	_ =	shalt  }
0x80: {  	_ =	shalt  }
0x81: {  	_ =	shalt  }
0x82: {  	_ =	shalt  }
0x83: {  	_ =	shalt  }
0x84: {  	_ =	shalt  }
0x85: {  	_ =	shalt  }
0x86: {  	_ =	shalt  }
0x87: {  	_ =	shalt  }
.Lfunc_end0:
.L_simem_size_0:
called_computation.1_lowered:
.L_overlay_start_0:
0x88: {  	s2 =	sld [smem:$0x3FD9]  }
0x89: {  	s3 =	sld [smem:$0x3FFE];
	_ =	sdelay $0x1  }
0x8a: {  	s1 =	srdreg.scid  }
0x8b: {  	s0 =	sand.u32 $0x1, s1  }
0x8c: {  	s17 =	sshll.u32 s0, $0xA;
	s2 =	sadd.s32 s3, s2  }
0x8d: {  	s2 =	sadd.s32 s2, s17  }
0x8e: {  	[smem:$0x3FC6] =	sst s2  }
0x8f: {  	_ = 	snop  }
0x90: {  	s2 =	sld [smem:$0x3FD0];
	(tm) =	ssettm $0x1  }
0x91: {  	s18 =	sld [smem:$0x3FFB];
	_ =	sdelay $0x3  }
0x92: {  	_ =	strace s18  }
0x93: {  	s3 =	sld [smem:$0x3FFC];
	_ =	sdelay $0x3  }
0x94: {  	_ =	strace s3  }
0x95: {  	s3 =	sld [smem:$0x3FFD];
	_ =	sdelay $0x3  }
0x96: {  	_ =	strace s3  }
0x97: {  	_ =	strace $0x8FFFFFFF  }
0x98: {  	s19 =	sld [smem:$0x3FDB];
	_ =	sdelay $0x1  }
0x99: {  	s4 =	simm.s32 $_scs_section_size  }
0x9a: {  	s5 =	simm.s32 $_size__tile_overlayer_lowered;
	s6 =	simm.s32 $_tile_overlayer_lowered  }
0x9b: {  	s22 =	simm.s32 $0x1BFF;
	s21 =	sshll.u32 s6, $0x1;
	s3 =	sadd.s32 s4, s19  }
0x9c: {  	s7 =	simm.s32 $0x0;
	s20 =	sshll.u32 s5, $0x1;
	s5 =	sadd.s32 s21, s3  }
0x9d: {  	[timem:s7], [sflag:s22] =	dma.local [hbm:s5], s20  }
0x9e: {  	_ =	swait.ge [sflag:s22], s20  }
0x9f: {  	s4 =	ssub.s32 $0x0, s20;
	[sflag:s22] =	ssyncset.done $0x0  }
0xa0: {  	[sflag:s22] =	ssyncadd.s32 s4;
	_ =	sdelay $0x1  }
0xa1: {  	s23 =	simm.s32 $0x1B8B  }
0xa2: {  	_ =	swait.ge [sflag:s23], $0x1  }
0xa3: {  	[sflag:s23] =	ssyncset.done $0x0  }
0xa4: {  	s25 =	simm.s32 $0x1B8E;
	s24 =	sld [smem:$0x3FFE];
	[sflag:s23] =	ssyncadd.s32 $0xFFFFFFFF  }
0xa5: {  	s26 =	simm.s32 $execute0_lowered;
	[smem:$0x3FD2] =	sst s25  }
0xa6: {  	s5 =	sshll.u32 s26, $0x1;
	_ =	strace $0x80000046;
	[dreg:$0x1] =	wrdreg $0xFFFFFFFF  }
0xa7: {  	s28 =	simm.s32 $_size_execute0_lowered;
	s3 =	sadd.s32 s3, s5;
	[dreg:$0x0] =	wrdreg $0x0  }
0xa8: {  	s5 =	sshll.u32 s28, $0x1;
	[dreg:$0x2] =	wrdreg s3  }
0xa9: {  	[dreg:$0x3] =	wrdreg s5  }
0xaa: {  	[dreg:$0x4] =	wrdreg $0xC0  }
0xab: {  	_ =	task [dreg:s7], $0x5FFFF  }
0xac: {  	[dreg:$0x1] =	wrdreg $0xFFFFFFFF  }
0xad: {  	[dreg:$0x0] =	wrdreg $0x60  }
0xae: {  	[dreg:$0x2] =	wrdreg s24  }
0xaf: {  	[dreg:$0x3] =	wrdreg s2  }
0xb0: {  	[dreg:$0x4] =	wrdreg $0x9  }
0xb1: {  	_ =	task.clear_ibuf [dreg:s7], $0x5FFFF;
	_ =	strace $0x90000046  }
0xb2: {  	s29 =	simm.s32 $0x9;
	_ =	strace $0x80000048  }
0xb3: {  	_ =	swait.ge [sflag:s29], $0x1  }
0xb4: {  	[sflag:s29] =	ssyncadd.s32 $0xFFFFFFFF  }
0xb5: {  	_ =	strace $0x90000048  }
0xb6: {  	_ =	sfence  }
0xb7: {  	s30 =	sld [smem:$0x0];
	_ =	sdelay $0x2  }
0xb8: {  	s31 =	sshll.u32 s1, $0xD;
	s1 =	sshrl.u32 s1, $0x2  }
0xb9: {  	s3 =	sand.u32 $0x4000, s31;
	s1 =	sadd.s32 s1, s30  }
0xba: {  	s0 =	sor.u32 s3, s0;
	s1 =	sshll.u32 s1, $0x11  }
0xbb: {  	s0 =	sor.u32 s1, s0  }
0xbc: {  	s0 =	sadd.s32 $0x8F2B, s0  }
0xbd: {  	[sflag:s0] =	ssyncadd.remote.s32 $0x1  }
0xbe: {  	_ =	sfence.sel $0xFFFF  }
0xbf: {  	[dreg:$0x0] =	wrdreg $0xFFFFFFFF;
	(pc) =	sbr.abs _section_cstart, $3  }
0xc0: {  	[dreg:$0x1] =	wrdreg $0xFFFFFFFF  }
0xc1: {  	_ =	task.clear_ibuf [dreg:s7], $0x2FFFF;
	_ =	strace $0x9FFFFFFF  }
0xc2: {  	(tm) =	ssettm $0x7FFFFFFF  }
0xc3: {  	_ =	shalt  }
tec
execute0_lowered:
.L_overlay_start_1:
0x0: {  	(tag) =	ssettag $0x1  }
0x1: {  	s0 =	rddreg [dreg:$0x0];
	s1 =	srdreg.scid  }
0x2: {  	s10 =	stileid.u32;
	s9 =	rddreg [dreg:$0x1];
	s2 =	simm.s32 $0x0  }
0x3: {  	s12 =	simm.s32 $0x6400;
	s13 =	simm.s32 $0x8400;
	s15 =	simm.s32 $0xA400  }
0x4: {  	s16 =	simm.s32 $0x180;
	s17 =	simm.s32 $0xC400;
	s18 =	simm.s32 $0x200  }
0x5: {  	s19 =	simm.s32 $0xE400;
	s20 =	simm.s32 $0x280;
	s8 =	smul.u32 $0x64000, s10  }
0x6: {  	s1 =	sand.u32 $0x1, s1;
	s3 =	sshll.u32 s10, $0x1;
	s10 =	smul.u32 $0x320000, s10  }
0x7: {  	s21 =	simm.s32 $0x10400;
	s22 =	simm.s32 $0x300;
	s11 =	smul.u32 $0x190000, s1  }
0x8: {  	s23 =	simm.s32 $0x12400;
	s3 =	sor.u32 s1, s3;
	s26 =	smul.u32 $0x32000, s1  }
0x9: {  	s28 =	simm.s32 $0x2;
	[smem:$0x7FF] =	sst s2;
	s4 =	smul.u32 $0xC80, s3  }
0xa: {  	s29 =	simm.s32 $0x0;
	_ =	strace $0x80000047;
	s5 =	smul.u32 $0x190000, s3  }
0xb: {  	s6 =	ssub.s32 $0x2, s1;
	s7 =	smul.u32 $0x32000, s3;
	s3 =	sadd.s32 $0xF42E00, s0  }
0xc: {  	s24 =	sshrl.u32 s6, $0x1;
	s8 =	sadd.s32 s8, s9;
	s10 =	sadd.s32 s11, s10  }
0xd: {  	s11 =	simm.s32 $0x80;
	s4 =	sadd.s32 s4, s0;
	s0 =	ssub.s32 s6, s24  }
0xe: {  	s5 =	sshrl.u32 s5, $0x3;
	s30 =	sadd.s32 s7, s9;
	s31 =	sshrl.u32 s10, $0x3  }
0xf: {  	s10 =	simm.s32 $0x3;
	s24 =	simm.s32 $0x380;
	s4 =	sadd.s32 $0xA00, s4  }
0x10: {  	s25 =	sadd.s32 s9, s5;
	s5 =	smax.u32 s0, $0x1;
	s7 =	sadd.s32 $0x31000, s30  }
0x11: {  	s0 =	sadd.s32 s26, s8;
	s9 =	sadd.s32 s31, s9;
	s26 =	simm.s32 $0x1  }
0x12: {  	s6 =	sadd.s32 $0x30000, s25;
	s8 =	sadd.s32 $0x1000, s0;
	s25 =	simm.s32 $0x14400  }
.LBB2_1:
0x13: {  	[tilespmem:s2], [sflag:$0x3] =	stream.linear.gather [hbm4b:s4+s2], $0x6400, $0x38;
	[tilespmem:$0x16400] =	vst v63  }
0x14: {  	_ =	swait.ge [sflag:s10], $0x6400  }
0x15: {  	[sflag:s10] =	ssyncset.done $0x0  }
0x16: {  	[sflag:s10] =	ssyncadd.s32 $0xFFFF9C00  }
0x17: {  	[tilespmem:s12], [sflag:$0x1] =	stream.indirect.gather [hbm4b:s3+s11], $0x40, s2, s11, $0xb8;
	[tilespmem:$0x16400] =	vst v63  }
0x18: {  	_ = 	snop  }
0x19: {  	[tilespmem:s13], [sflag:$0x1] =	stream.indirect.gather [hbm4b:s3+s11], $0x40, s11, s11, $0xb8;
	[tilespmem:$0x16400] =	vst v63  }
0x1a: {  	s0 =	simm.s32 $0x100  }
0x1b: {  	[tilespmem:s15], [sflag:$0x1] =	stream.indirect.gather [hbm4b:s3+s11], $0x40, s0, s11, $0xb8;
	[tilespmem:$0x16400] =	vst v63  }
0x1c: {  	_ = 	snop  }
0x1d: {  	[tilespmem:s17], [sflag:$0x1] =	stream.indirect.gather [hbm4b:s3+s11], $0x40, s16, s11, $0xb8;
	[tilespmem:$0x16400] =	vst v63  }
0x1e: {  	_ = 	snop  }
0x1f: {  	[tilespmem:s19], [sflag:$0x2] =	stream.indirect.gather [hbm4b:s3+s11], $0x40, s18, s11, $0xb8;
	[tilespmem:$0x16400] =	vst v63  }
0x20: {  	_ = 	snop  }
0x21: {  	[tilespmem:s21], [sflag:$0x2] =	stream.indirect.gather [hbm4b:s3+s11], $0x40, s20, s11, $0xb8;
	[tilespmem:$0x16400] =	vst v63  }
0x22: {  	_ = 	snop  }
0x23: {  	[tilespmem:s23], [sflag:$0x2] =	stream.indirect.gather [hbm4b:s3+s11], $0x40, s22, s11, $0xb8;
	[tilespmem:$0x16400] =	vst v63  }
0x24: {  	_ = 	snop  }
0x25: {  	[tilespmem:s25], [sflag:$0x2] =	stream.indirect.gather [hbm4b:s3+s11], $0x40, s24, s11, $0xb8;
	[tilespmem:$0x16400] =	vst v63  }
0x26: {  	_ =	swait.ge [sflag:s26], $0x2000  }
0x27: {  	[sflag:s26] =	ssyncset.done $0x0  }
0x28: {  	[sflag:s26] =	ssyncadd.s32 $0xFFFFE000  }
0x29: {  	_ =	swait.ge [sflag:s26], $0x2000  }
0x2a: {  	[sflag:s26] =	ssyncset.done $0x0  }
0x2b: {  	[sflag:s26] =	ssyncadd.s32 $0xFFFFE000  }
0x2c: {  	_ =	swait.ge [sflag:s26], $0x2000  }
0x2d: {  	[sflag:s26] =	ssyncset.done $0x0  }
0x2e: {  	[sflag:s26] =	ssyncadd.s32 $0xFFFFE000  }
0x2f: {  	_ =	swait.ge [sflag:s26], $0x2000  }
0x30: {  	[sflag:s26] =	ssyncset.done $0x0  }
0x31: {  	[sflag:s26] =	ssyncadd.s32 $0xFFFFE000  }
0x32: {  	[hbm4b:s9+s2] =	stream.linear.scatter [tilespmem:s12], [sflag:$0x3], $0x8000, $0x38;
	[tilespmem:$0x16400] =	vst v63  }
0x33: {  	_ =	swait.ge [sflag:s10], $0x8000  }
0x34: {  	[sflag:s10] =	ssyncset.done $0x0  }
0x35: {  	s14 =	simm.s32 $0x400;
	[sflag:s10] =	ssyncadd.s32 $0xFFFF8000  }
0x36: {  	[tilespmem:s12], [sflag:$0x1] =	stream.indirect.gather [hbm4b:s3+s11], $0x40, s14, s11, $0xb8;
	[tilespmem:$0x16400] =	vst v63  }
0x37: {  	s1 =	simm.s32 $0x480  }
0x38: {  	[tilespmem:s13], [sflag:$0x1] =	stream.indirect.gather [hbm4b:s3+s11], $0x40, s1, s11, $0xb8;
	[tilespmem:$0x16400] =	vst v63  }
0x39: {  	s14 =	simm.s32 $0x500  }
0x3a: {  	[tilespmem:s15], [sflag:$0x1] =	stream.indirect.gather [hbm4b:s3+s11], $0x40, s14, s11, $0xb8;
	[tilespmem:$0x16400] =	vst v63  }
0x3b: {  	s1 =	simm.s32 $0x580  }
0x3c: {  	[tilespmem:s17], [sflag:$0x1] =	stream.indirect.gather [hbm4b:s3+s11], $0x40, s1, s11, $0xb8;
	[tilespmem:$0x16400] =	vst v63  }
0x3d: {  	_ =	swait.ge [sflag:s28], $0x2000  }
0x3e: {  	[sflag:s28] =	ssyncset.done $0x0  }
0x3f: {  	[sflag:s28] =	ssyncadd.s32 $0xFFFFE000  }
0x40: {  	_ =	swait.ge [sflag:s28], $0x2000  }
0x41: {  	[sflag:s28] =	ssyncset.done $0x0  }
0x42: {  	[sflag:s28] =	ssyncadd.s32 $0xFFFFE000  }
0x43: {  	_ =	swait.ge [sflag:s28], $0x2000  }
0x44: {  	[sflag:s28] =	ssyncset.done $0x0  }
0x45: {  	[sflag:s28] =	ssyncadd.s32 $0xFFFFE000  }
0x46: {  	_ =	swait.ge [sflag:s28], $0x2000  }
0x47: {  	[sflag:s28] =	ssyncset.done $0x0  }
0x48: {  	[sflag:s28] =	ssyncadd.s32 $0xFFFFE000  }
0x49: {  	[hbm4b:s8+s2] =	stream.linear.scatter [tilespmem:s19], [sflag:$0x3], $0x8000, $0x38;
	[tilespmem:$0x16400] =	vst v63  }
0x4a: {  	_ =	swait.ge [sflag:s10], $0x8000  }
0x4b: {  	[sflag:s10] =	ssyncset.done $0x0  }
0x4c: {  	s14 =	simm.s32 $0x600;
	[sflag:s10] =	ssyncadd.s32 $0xFFFF8000  }
0x4d: {  	[tilespmem:s19], [sflag:$0x2] =	stream.indirect.gather [hbm4b:s3+s11], $0x40, s14, s11, $0xb8;
	[tilespmem:$0x16400] =	vst v63  }
0x4e: {  	s30 =	simm.s32 $0x1000;
	s31 =	sadd.s32 $0x2000, s8;
	s1 =	simm.s32 $0x680  }
0x4f: {  	[tilespmem:s21], [sflag:$0x2] =	stream.indirect.gather [hbm4b:s3+s11], $0x40, s1, s11, $0xb8;
	[tilespmem:$0x16400] =	vst v63  }
0x50: {  	s0 =	simm.s32 $0x780;
	s14 =	simm.s32 $0x700;
	s1 =	sadd.s32 $0x2000, s9  }
0x51: {  	[tilespmem:s23], [sflag:$0x2] =	stream.indirect.gather [hbm4b:s3+s11], $0x40, s14, s11, $0xb8;
	[tilespmem:$0x16400] =	vst v63  }
.LBB2_2:
0x52: {  	[tilespmem:s25], [sflag:$0x2] =	stream.indirect.gather [hbm4b:s3+s11], $0x40, s0, s11, $0xb8;
	[tilespmem:$0x16400] =	vst v63  }
0x53: {  	s0 =	smov.u32 s30  }
0x54: {  	p0 =	sne.s32 s30, $0x17000;
	s30 =	sadd.s32 $0x1000, s30;
	_ =	swait.ge [sflag:s26], $0x2000  }
0x55: {  	[sflag:s26] =	ssyncset.done $0x0  }
0x56: {  	[sflag:s26] =	ssyncadd.s32 $0xFFFFE000  }
0x57: {  	_ =	swait.ge [sflag:s26], $0x2000  }
0x58: {  	[sflag:s26] =	ssyncset.done $0x0  }
0x59: {  	[sflag:s26] =	ssyncadd.s32 $0xFFFFE000  }
0x5a: {  	_ =	swait.ge [sflag:s26], $0x2000  }
0x5b: {  	[sflag:s26] =	ssyncset.done $0x0  }
0x5c: {  	[sflag:s26] =	ssyncadd.s32 $0xFFFFE000  }
0x5d: {  	_ =	swait.ge [sflag:s26], $0x2000  }
0x5e: {  	[sflag:s26] =	ssyncset.done $0x0  }
0x5f: {  	[sflag:s26] =	ssyncadd.s32 $0xFFFFE000  }
0x60: {  	[hbm4b:s1+s2] =	stream.linear.scatter [tilespmem:s12], [sflag:$0x3], $0x8000, $0x38;
	[tilespmem:$0x16400] =	vst v63  }
0x61: {  	_ =	swait.ge [sflag:s10], $0x8000  }
0x62: {  	s0 =	sshra.s32 s0, $0x2;
	[sflag:s10] =	ssyncset.done $0x0  }
0x63: {  	s14 =	sadd.s32 $0x400, s0;
	[sflag:s10] =	ssyncadd.s32 $0xFFFF8000  }
0x64: {  	[tilespmem:s12], [sflag:$0x1] =	stream.indirect.gather [hbm4b:s3+s11], $0x40, s14, s11, $0xb8;
	[tilespmem:$0x16400] =	vst v63  }
0x65: {  	s14 =	sadd.s32 $0x480, s0  }
0x66: {  	[tilespmem:s13], [sflag:$0x1] =	stream.indirect.gather [hbm4b:s3+s11], $0x40, s14, s11, $0xb8;
	[tilespmem:$0x16400] =	vst v63  }
0x67: {  	s14 =	sadd.s32 $0x500, s0  }
0x68: {  	[tilespmem:s15], [sflag:$0x1] =	stream.indirect.gather [hbm4b:s3+s11], $0x40, s14, s11, $0xb8;
	[tilespmem:$0x16400] =	vst v63  }
0x69: {  	s14 =	sadd.s32 $0x580, s0  }
0x6a: {  	[tilespmem:s17], [sflag:$0x1] =	stream.indirect.gather [hbm4b:s3+s11], $0x40, s14, s11, $0xb8;
	[tilespmem:$0x16400] =	vst v63  }
0x6b: {  	_ =	swait.ge [sflag:s28], $0x2000  }
0x6c: {  	[sflag:s28] =	ssyncset.done $0x0  }
0x6d: {  	[sflag:s28] =	ssyncadd.s32 $0xFFFFE000  }
0x6e: {  	_ =	swait.ge [sflag:s28], $0x2000  }
0x6f: {  	[sflag:s28] =	ssyncset.done $0x0  }
0x70: {  	[sflag:s28] =	ssyncadd.s32 $0xFFFFE000  }
0x71: {  	_ =	swait.ge [sflag:s28], $0x2000  }
0x72: {  	[sflag:s28] =	ssyncset.done $0x0  }
0x73: {  	[sflag:s28] =	ssyncadd.s32 $0xFFFFE000  }
0x74: {  	_ =	swait.ge [sflag:s28], $0x2000  }
0x75: {  	[sflag:s28] =	ssyncset.done $0x0  }
0x76: {  	[sflag:s28] =	ssyncadd.s32 $0xFFFFE000  }
0x77: {  	[hbm4b:s31+s2] =	stream.linear.scatter [tilespmem:s19], [sflag:$0x3], $0x8000, $0x38;
	[tilespmem:$0x16400] =	vst v63  }
0x78: {  	_ =	swait.ge [sflag:s10], $0x8000  }
0x79: {  	[sflag:s10] =	ssyncset.done $0x0  }
0x7a: {  	s14 =	sadd.s32 $0x600, s0;
	[sflag:s10] =	ssyncadd.s32 $0xFFFF8000  }
0x7b: {  	[tilespmem:s19], [sflag:$0x2] =	stream.indirect.gather [hbm4b:s3+s11], $0x40, s14, s11, $0xb8;
	[tilespmem:$0x16400] =	vst v63  }
.Ltmp0:
0x7c: {  	s14 =	sadd.s32 $0x680, s0;
	(pc) =	sbr.rel @p0 .LBB2_2-.Ltmp0, $4  }
0x7d: {  	[tilespmem:s21], [sflag:$0x2] =	stream.indirect.gather [hbm4b:s3+s11], $0x40, s14, s11, $0xb8;
	[tilespmem:$0x16400] =	vst v63  }
0x7e: {  	s14 =	sadd.s32 $0x700, s0  }
0x7f: {  	[tilespmem:s23], [sflag:$0x2] =	stream.indirect.gather [hbm4b:s3+s11], $0x40, s14, s11, $0xb8;
	[tilespmem:$0x16400] =	vst v63  }
0x80: {  	s1 =	sadd.s32 $0x2000, s1;
	s31 =	sadd.s32 $0x2000, s31;
	s0 =	sadd.s32 $0x780, s0  }
0x81: {  	[tilespmem:s25], [sflag:$0x2] =	stream.indirect.gather [hbm4b:s3+s11], $0x40, s0, s11, $0xb8;
	[tilespmem:$0x16400] =	vst v63  }
0x82: {  	_ =	swait.ge [sflag:s26], $0x2000  }
0x83: {  	[sflag:s26] =	ssyncset.done $0x0  }
0x84: {  	[sflag:s26] =	ssyncadd.s32 $0xFFFFE000  }
0x85: {  	_ =	swait.ge [sflag:s26], $0x2000  }
0x86: {  	[sflag:s26] =	ssyncset.done $0x0  }
0x87: {  	[sflag:s26] =	ssyncadd.s32 $0xFFFFE000  }
0x88: {  	_ =	swait.ge [sflag:s26], $0x2000  }
0x89: {  	[sflag:s26] =	ssyncset.done $0x0  }
0x8a: {  	[sflag:s26] =	ssyncadd.s32 $0xFFFFE000  }
0x8b: {  	_ =	swait.ge [sflag:s26], $0x2000  }
0x8c: {  	[sflag:s26] =	ssyncset.done $0x0  }
0x8d: {  	[sflag:s26] =	ssyncadd.s32 $0xFFFFE000  }
0x8e: {  	[hbm4b:s6+s2] =	stream.linear.scatter [tilespmem:s12], [sflag:$0x3], $0x8000, $0x38;
	[tilespmem:$0x16400] =	vst v63  }
0x8f: {  	_ =	swait.ge [sflag:s10], $0x8000  }
0x90: {  	[sflag:s10] =	ssyncset.done $0x0  }
0x91: {  	[sflag:s10] =	ssyncadd.s32 $0xFFFF8000  }
0x92: {  	_ =	swait.ge [sflag:s28], $0x2000  }
0x93: {  	[sflag:s28] =	ssyncset.done $0x0  }
0x94: {  	[sflag:s28] =	ssyncadd.s32 $0xFFFFE000  }
0x95: {  	_ =	swait.ge [sflag:s28], $0x2000  }
0x96: {  	[sflag:s28] =	ssyncset.done $0x0  }
0x97: {  	[sflag:s28] =	ssyncadd.s32 $0xFFFFE000  }
0x98: {  	_ =	swait.ge [sflag:s28], $0x2000  }
0x99: {  	[sflag:s28] =	ssyncset.done $0x0  }
0x9a: {  	[sflag:s28] =	ssyncadd.s32 $0xFFFFE000  }
0x9b: {  	s29 =	sadd.s32 $0x1, s29;
	_ =	swait.ge [sflag:s28], $0x2000  }
0x9c: {  	p0 =	sne.s32 s29, s5;
	[sflag:s28] =	ssyncset.done $0x0  }
.Ltmp1:
0x9d: {  	[sflag:s28] =	ssyncadd.s32 $0xFFFFE000;
	(pc) =	sbr.rel @p0 .LBB2_1-.Ltmp1, $4  }
0x9e: {  	[hbm4b:s7+s2] =	stream.linear.scatter [tilespmem:s19], [sflag:$0x3], $0x8000, $0x38;
	[tilespmem:$0x16400] =	vst v63  }
0x9f: {  	_ =	swait.ge [sflag:s10], $0x8000  }
0xa0: {  	[sflag:s10] =	ssyncset.done $0x0  }
0xa1: {  	[sflag:s10] =	ssyncadd.s32 $0xFFFF8000  }
0xa2: {  	_ =	sfence.sel $0x180000  }
0xa3: {  	[bflag:$0x0] =	sbarrier.arrive $0xFFFF  }
0xa4: {  	_ =	strace $0x90000047  }
0xa5: {  	s0 =	stileid.u32;
	[bflag:$0x2] =	sbarrier.arrive $0xFFFF  }
0xa6: {  	p0 =	sne.s32 s0, $0x0;
	s0 =	rddreg [dreg:$0x2]  }
0xa7: {  	s0 =	sadd.s32 @!p0 $0x100000, s0  }
0xa8: {  	[sflag:s0] =	ssyncadd.tile.s32 @!p0 $0x1;
	_ =	shalt  }
.Lfunc_end2:
_tile_overlayer_lowered:
.L_overlay_start_2:
0xa9: {  	(tag) =	ssettag $0x2  }
0xaa: {  	s0 =	rddreg [dreg:$0x0];
	s2 =	stileid.u32  }
0xab: {  	s1 =	rddreg [dreg:$0x1];
	p0 =	sne.s32 s2, $0x0  }
0xac: {  	s3 =	rddreg [dreg:$0x2];
	[bflag:$0x3] =	sbarrier.arrive $0xFFFF;
	s2 =	simm.s32 @!p0 $0x1C03  }
0xad: {  	[timem:s3], [sflag:s2] =	dma.local @!p0 [hbm:s0], s1  }
0xae: {  	s0 =	simm.s32 @!p0 $0x3  }
0xaf: {  	_ =	swait.ge @!p0 [sflag:s0], s1  }
0xb0: {  	s1 =	ssub.s32 @!p0 $0x0, s1;
	[sflag:s0] =	ssyncset.done @!p0 $0x0  }
0xb1: {  	[sflag:s0] =	ssyncadd.s32 @!p0 s1  }
0xb2: {  	[bflag:$0x3] =	sbarrier.arrive $0xFFFF  }
0xb3: {  	_ =	shalt  }

// kernel: sparse-core-data-format-call.cloned.1.call-start
scs
called_computation_lowered:
.L_overlay_start_0:
0x0: {  	s2 =	sld [smem:$0x3FD9]  }
0x1: {  	s3 =	sld [smem:$0x3FFE];
	_ =	sdelay $0x1  }
0x2: {  	s1 =	srdreg.scid  }
0x3: {  	s0 =	sand.u32 $0x1, s1  }
0x4: {  	s18 =	sshll.u32 s0, $0xA;
	s2 =	sadd.s32 s3, s2  }
0x5: {  	s2 =	sadd.s32 s2, s18  }
0x6: {  	[smem:$0x3FC6] =	sst s2  }
0x7: {  	_ = 	snop  }
0x8: {  	s2 =	sld [smem:$0x3FD0];
	(tm) =	ssettm $0x1  }
0x9: {  	s19 =	sld [smem:$0x3FFB];
	_ =	sdelay $0x3  }
0xa: {  	_ =	strace s19  }
0xb: {  	s3 =	sld [smem:$0x3FFC];
	_ =	sdelay $0x3  }
0xc: {  	_ =	strace s3  }
0xd: {  	s3 =	sld [smem:$0x3FFD];
	_ =	sdelay $0x3  }
0xe: {  	_ =	strace s3  }
0xf: {  	_ =	strace $0x8FFFFFFF  }
0x10: {  	s20 =	sld [smem:$0x3FDB];
	_ =	sdelay $0x1  }
0x11: {  	s4 =	simm.s32 $_scs_section_size  }
0x12: {  	s5 =	simm.s32 $_size__tile_overlayer_lowered;
	s6 =	simm.s32 $_tile_overlayer_lowered  }
0x13: {  	s23 =	simm.s32 $0x1BFF;
	s22 =	sshll.u32 s6, $0x1;
	s3 =	sadd.s32 s4, s20  }
0x14: {  	s7 =	simm.s32 $0x0;
	s21 =	sshll.u32 s5, $0x1;
	s5 =	sadd.s32 s22, s3  }
0x15: {  	[timem:s7], [sflag:s23] =	dma.local [hbm:s5], s21  }
0x16: {  	_ =	swait.ge [sflag:s23], s21  }
0x17: {  	s4 =	ssub.s32 $0x0, s21;
	[sflag:s23] =	ssyncset.done $0x0  }
0x18: {  	[sflag:s23] =	ssyncadd.s32 s4;
	_ =	sdelay $0x1  }
0x19: {  	s24 =	simm.s32 $0x1B8B  }
0x1a: {  	_ =	swait.ge [sflag:s24], $0x1  }
0x1b: {  	[sflag:s24] =	ssyncset.done $0x0  }
0x1c: {  	s26 =	simm.s32 $0x1B8E;
	s25 =	sld [smem:$0x3FFE];
	[sflag:s24] =	ssyncadd.s32 $0xFFFFFFFF  }
0x1d: {  	s27 =	simm.s32 $execute0_lowered;
	[smem:$0x3FD2] =	sst s26  }
0x1e: {  	s5 =	sshll.u32 s27, $0x1;
	_ =	strace $0x80000049;
	[dreg:$0x1] =	wrdreg $0xFFFFFFFF  }
0x1f: {  	s28 =	simm.s32 $_size_execute0_lowered;
	s3 =	sadd.s32 s3, s5;
	[dreg:$0x0] =	wrdreg $0x0  }
0x20: {  	s5 =	sshll.u32 s28, $0x1;
	[dreg:$0x2] =	wrdreg s3  }
0x21: {  	[dreg:$0x3] =	wrdreg s5  }
0x22: {  	[dreg:$0x4] =	wrdreg $0xC0  }
0x23: {  	_ =	task [dreg:s7], $0x5FFFF  }
0x24: {  	[dreg:$0x1] =	wrdreg $0xFFFFFFFF  }
0x25: {  	[dreg:$0x0] =	wrdreg $0x60  }
0x26: {  	[dreg:$0x2] =	wrdreg s25  }
0x27: {  	[dreg:$0x3] =	wrdreg s2  }
0x28: {  	[dreg:$0x4] =	wrdreg $0x9  }
0x29: {  	_ =	task.clear_ibuf [dreg:s7], $0x5FFFF;
	_ =	strace $0x90000049  }
0x2a: {  	s29 =	simm.s32 $0x9;
	_ =	strace $0x8000004B  }
0x2b: {  	_ =	swait.ge [sflag:s29], $0x1  }
0x2c: {  	[sflag:s29] =	ssyncadd.s32 $0xFFFFFFFF  }
0x2d: {  	_ =	strace $0x9000004B  }
0x2e: {  	_ =	sfence  }
0x2f: {  	s30 =	sld [smem:$0x0];
	_ =	sdelay $0x2  }
0x30: {  	s31 =	sshll.u32 s1, $0xD;
	s1 =	sshrl.u32 s1, $0x2  }
0x31: {  	s3 =	sand.u32 $0x4000, s31;
	s1 =	sadd.s32 s1, s30  }
0x32: {  	s0 =	sor.u32 s3, s0;
	s1 =	sshll.u32 s1, $0x11  }
0x33: {  	s0 =	sor.u32 s1, s0  }
0x34: {  	s0 =	sadd.s32 $0x8F2B, s0  }
0x35: {  	[sflag:s0] =	ssyncadd.remote.s32 $0x1  }
0x36: {  	_ =	sfence.sel $0xFFFF  }
0x37: {  	[dreg:$0x0] =	wrdreg $0xFFFFFFFF;
	(pc) =	sbr.abs _section_cstart, $3  }
0x38: {  	[dreg:$0x1] =	wrdreg $0xFFFFFFFF  }
0x39: {  	_ =	task.clear_ibuf [dreg:s7], $0x2FFFF;
	_ =	strace $0x9FFFFFFF  }
0x3a: {  	(tm) =	ssettm $0x7FFFFFFF  }
0x3b: {  	_ =	shalt  }
tec
execute0_lowered:
.L_overlay_start_1:
0x0: {  	(tag) =	ssettag $0x1  }
0x1: {  	s0 =	srdreg.scid  }
0x2: {  	s1 =	sshll.u32 s0, $0x4  }
0x3: {  	s0 =	stileid.u32;
	s1 =	sand.u32 $0x10, s1  }
0x4: {  	s1 =	sor.u32 s0, s1  }
0x5: {  	s6 =	rddreg [dreg:$0x0];
	s4 =	simm.s32 $0x1;
	s2 =	sshll.u32 s1, $0x7  }
0x6: {  	s7 =	simm.s32 $0x2;
	s12 =	simm.s32 $0x0;
	s1 =	ssub.s32 $0x4000, s2  }
0x7: {  	s8 =	simm.s32 $0x20000;
	s13 =	simm.s32 $0x0;
	s3 =	sand.u32 $0xF80, s1  }
0x8: {  	s9 =	simm.s32 $0x0;
	s5 =	sshrl.u32 s1, $0xC;
	p0 =	sne.s32 s3, $0x0  }
.Ltmp0:
0x9: {  	s1 =	rddreg [dreg:$0x2];
	s4 =	simm.s32 @!p0 $0x0;
	(pc) =	sbr.rel .LBB1_1-.Ltmp0, $4  }
0xa: {  	s11 =	simm.s32 $0x0;
	s3 =	rddreg [dreg:$0x1];
	s5 =	sadd.s32 s4, s5  }
0xb: {  	_ =	strace $0x8000004A;
	s4 =	simm.s32 $0x1;
	s5 =	smul.u32 $0x32, s5  }
0xc: {  	s6 =	sadd.s32 $0xA00, s6;
	s10 =	smov.u32 s2;
	[sflag:s4] =	ssyncpa.u1 $0x0  }
0xd: {  	p0 =	por $0x0, $0x0;
	[sflag:s7] =	ssyncpa.u1 $0x0;
	s7 =	sor.u32 $0x1, s5  }
.LBB1_4:
0xe: {  	s16 =	sshll.u32 s13, $0x3;
	s17 =	sand.u32 $0x78, s13  }
0xf: {  	s30 =	sand.u32 $0x1F800, s13;
	s12 =	sshll.u32 s12, $0x11;
	s16 =	sand.u32 $0x3C00, s16  }
0x10: {  	[tilespmem:s15+$0x810 ss:$0x81] =	vst.msk $0xffff, v2;
	s31 =	sand.u32 $0x7, s13;
	s16 =	sor.u32 s17, s16;
	s17 =	sadd.s32 s3, s30  }
0x11: {  	[tilespmem:s15+$0x1020 ss:$0x81] =	vst.msk $0xffff, v0;
	s13 =	sshll.u32 s31, $0x12;
	s12 =	sadd.s32 s12, s17;
	s16 =	sshrl.u32 s16, $0x3  }
0x12: {  	[tilespmem:s15+$0x0 ss:$0x81] =	vst.msk $0xffff, v1;
	s13 =	sor.u32 $0x400, s13;
	s12 =	sadd.s32 s16, s12  }
0x13: {  	[hbm4b:s12+s13] =	stream.strided.scatter [tilespmem:s14], [sflag:$0x2], $0x2000, s8, s13, $0x20;
	[tilespmem:$0x8080] =	vst v63  }
.LBB1_5:
0x14: {  	s14 =	sadd.s32 $0x1, s9  }
0x15: {  	s12 =	sadd.s32 $0x1000, s10;
	s16 =	smov.u32 s10;
	p2 =	sgt.s32 s14, $0x31  }
0x16: {  	s16 =	smov.u32 @p2 s12  }
0x17: {  	s14 =	simm.s32 @p2 $0x0;
	p2 =	sgt.s32 s16, $0x3FFF  }
0x18: {  	s16 =	smov.u32 @p2 s2;
	p2 =	sne.s32 s11, s7  }
.Ltmp1:
0x19: {  	p1 =	slt.u32 s11, $0x2;
	(pc) =	sbr.rel @!p2 .LBB1_6-.Ltmp1, $4  }
0x1a: {  	s15 =	simm.s32 @!p1 $0x2  }
0x1b: {  	s13 =	smov.u32 s10;
	p0 =	por !p0, !p0;
	_ =	swait.ge @!p1 [sflag:s15], $0x2000  }
0x1c: {  	s12 =	smov.u32 s9;
	[sflag:s15] =	ssyncset.done @!p1 $0x0;
	s9 =	smov.u32 s14  }
0x1d: {  	s11 =	sadd.s32 $0x1, s11;
	[sflag:s15] =	ssyncadd.s32 @!p1 $0xFFFFE000;
	s10 =	smov.u32 s16  }
.LBB1_1:
0x1e: {  	p1 =	sge.u32 s11, s5  }
0x1f: {  	s14 =	sand.u32 @!p1 $0x1FFFFFF, s9  }
0x20: {  	s15 =	smulhi.u32 @!p1 $0x4924925, s14;
	_ =	sdelay $0x1  }
0x21: {  	s15 =	smul.u32 @!p1 $0x38, s15  }
0x22: {  	s16 =	sxor.u32 @!p1 $0xFFFFFFFF, s11;
	s17 =	smul.u32 @!p1 $0x380, s10  }
0x23: {  	s31 =	sadd.s32 $0xFFFFFFFF, s11;
	s16 =	sshll.u32 @!p1 s16, $0xD;
	s14 =	ssub.s32 @!p1 s14, s15  }
0x24: {  	s15 =	sand.u32 @!p1 $0x2000, s16;
	s16 =	sadd.s32 @!p1 s6, s17;
	s14 =	sshll.u32 @!p1 s14, $0x4  }
0x25: {  	s17 =	simm.s32 @!p1 $0x1C00;
	s14 =	sadd.s32 @!p1 s14, s16;
	s16 =	simm.s32 @!p1 $0x40  }
0x26: {  	[tilespmem:s15], [sflag:$0x1] =	stream.strided.gather @!p1 [hbm4b:s14+s16], $0x2000, s17, s16, $0x38;
	[tilespmem:$0x8080] =	vst v63  }
0x27: {  	p1 =	sge.u32 s31, s5  }
.Ltmp2:
0x28: {  	_ = 	snop;
	(pc) =	sbr.rel @p1 .LBB1_5-.Ltmp2, $1  }
0x29: {  	_ =	sdelay $0x3  }
0x2a: {  	s14 =	simm.s32 $0x1  }
0x2b: {  	_ =	swait.ge [sflag:s4], $0x2000;
	s14 =	simm.s32 @!p0 $0x0  }
0x2c: {  	[sflag:s4] =	ssyncset.done $0x0;
	s15 =	sshll.u32 s14, $0xD  }
0x2d: {  	[sflag:s4] =	ssyncadd.s32 $0xFFFFE000;
	s18 =	sor.u32 $0x20, s15  }
0x2e: {  	s14 =	smul.u32 $0x8100, s14;
	v3 =	vld [tilespmem:s18+$0x10]  }
0x2f: {  	s30 =	sand.u32 $0x1, s11;
	v2 =	vld [tilespmem:s18+$0xFFFFFFF0]  }
0x30: {  	s15 =	smul.u32 $0x8100, s30;
	s14 =	sshrl.u32 s14, $0x2;
	v0 =	vld [tilespmem:s18+$0x0]  }
0x31: {  	v1 =	vld [tilespmem:s18+$0xFFFFFFE0];
	s16 =	sor.u32 $0x4000, s14  }
0x32: {  	s31 =	sshrl.u32 s15, $0x2;
	s15 =	sadd.s32 $0x0, s16  }
0x33: {  	s17 =	simm.s32 $0x4;
	s18 =	sadd.s32 $0x40, s18;
	s14 =	sor.u32 $0x4000, s31;
	[tilespmem:s15+$0x1830 ss:$0x81] =	vst.msk $0xffff, v3  }
.LBB1_3:
0x34: {  	v3 =	vld [tilespmem:s18+$0x10];
	p1 =	sne.s32 s17, $0x1FC;
	[tilespmem:s15+$0x810 ss:$0x81] =	vst.msk $0xffff, v2;
	s19 =	smov.u32 s17;
	s17 =	sadd.s32 $0x4, s17  }
.Ltmp3:
0x35: {  	v2 =	vld [tilespmem:s18+$0xFFFFFFF0];
	[tilespmem:s15+$0x1020 ss:$0x81] =	vst.msk $0xffff, v0;
	(pc) =	sbr.rel @p1 .LBB1_3-.Ltmp3, $4  }
0x36: {  	v0 =	vld [tilespmem:s18+$0x0];
	[tilespmem:s15+$0x0 ss:$0x81] =	vst.msk $0xffff, v1  }
0x37: {  	s15 =	sshra.s32 s19, $0x2;
	v1 =	vld [tilespmem:s18+$0xFFFFFFE0]  }
0x38: {  	s15 =	sadd.s32 s15, s16  }
0x39: {  	s18 =	sadd.s32 $0x40, s18;
	[tilespmem:s15+$0x1830 ss:$0x81] =	vst.msk $0xffff, v3  }
.Ltmp4:
0x3a: {  	_ = 	snop;
	(pc) =	sbr.rel .LBB1_4-.Ltmp4, $1  }
0x3b: {  	_ =	sdelay $0x3  }
.LBB1_6:
0x3c: {  	_ =	sfence.sel $0x180000  }
0x3d: {  	s2 =	simm.s32 $0x1;
	[bflag:$0x0] =	sbarrier.arrive $0xFFFF  }
0x3e: {  	s31 =	simm.s32 $0x2;
	[sflag:s2] =	ssyncpa.u1 $0x1  }
0x3f: {  	[sflag:s31] =	ssyncpa.u1 $0x1  }
0x40: {  	p0 =	sne.s32 s0, $0x0;
	_ =	strace $0x9000004A  }
0x41: {  	s0 =	sadd.s32 @!p0 $0x100000, s1;
	[bflag:$0x2] =	sbarrier.arrive $0xFFFF  }
0x42: {  	[sflag:s0] =	ssyncadd.tile.s32 @!p0 $0x1;
	_ =	shalt  }
.Lfunc_end1:
_tile_overlayer_lowered:
.L_overlay_start_2:
0x43: {  	(tag) =	ssettag $0x2  }
0x44: {  	s0 =	rddreg [dreg:$0x0];
	s2 =	stileid.u32  }
0x45: {  	s1 =	rddreg [dreg:$0x1];
	p0 =	sne.s32 s2, $0x0  }
0x46: {  	s3 =	rddreg [dreg:$0x2];
	[bflag:$0x3] =	sbarrier.arrive $0xFFFF;
	s2 =	simm.s32 @!p0 $0x1C01  }
0x47: {  	[timem:s3], [sflag:s2] =	dma.local @!p0 [hbm:s0], s1  }
0x48: {  	s0 =	simm.s32 @!p0 $0x1  }
0x49: {  	_ =	swait.ge @!p0 [sflag:s0], s1  }
0x4a: {  	s1 =	ssub.s32 @!p0 $0x0, s1;
	[sflag:s0] =	ssyncset.done @!p0 $0x0  }
0x4b: {  	[sflag:s0] =	ssyncadd.s32 @!p0 s1  }
0x4c: {  	[bflag:$0x3] =	sbarrier.arrive $0xFFFF  }
0x4d: {  	_ =	shalt  }

</sc_bundles>
